<compile_context>
chip_gen: v7x
topology: tpu7x:2x2x1
jax: 0.10.2.dev20260603
libtpu: 0.0.44.dev20260713+nightly
codegen_flags: <defaults>
</compile_context>

<pallas_src>
import functools

import jax
import jax.numpy as jnp
from jax import lax
from jax.experimental import pallas as pl
from jax.experimental.pallas import tpu as pltpu
from jax.experimental.pallas import tpu_sc as plsc

_NC = 2
_NS = 16
_NW = _NC * _NS
_EB = 80
_BE = 2560


def _rsqrt_nr(d2):
    i = plsc.bitcast(d2, jnp.int32)
    y = plsc.bitcast(jnp.int32(0x5F3759DF) - (i >> 1), jnp.float32)
    for _ in range(3):
        t = (0.5 * d2) * y
        y = y * (1.5 - t * y)
    return y


def _gather_body(x_hbm, pos_hbm, row_hbm, col_hbm,
                 gsrc_hbm, gdst_hbm, geom_hbm,
                 pos_v, rowi_v, coli_v, gsrc_v, gdst_v, geom_v, sem):
    c = lax.axis_index("c")
    s = lax.axis_index("s")
    wid = s * _NC + c
    n_edges = row_hbm.shape[0]
    nper = n_edges // _NW
    nblk = nper // _EB
    pltpu.sync_copy(pos_hbm, pos_v)

    def body(j, carry):
        e0 = wid * nper + j * _EB
        pltpu.sync_copy(row_hbm.at[pl.ds(e0, _EB)], rowi_v)
        pltpu.sync_copy(col_hbm.at[pl.ds(e0, _EB)], coli_v)
        a1 = pltpu.async_copy(x_hbm.at[rowi_v], gsrc_v, sem)
        a2 = pltpu.async_copy(x_hbm.at[coli_v], gdst_v, sem)
        for k in range(_EB // 16):
            q = k * 16
            row16 = rowi_v[pl.ds(q, 16)] * 4
            col16 = coli_v[pl.ds(q, 16)] * 4
            lane = lax.iota(jnp.int32, 16)
            pxr = plsc.load_gather(pos_v, [row16])
            pyr = plsc.load_gather(pos_v, [row16 + 1])
            pzr = plsc.load_gather(pos_v, [row16 + 2])
            pxc = plsc.load_gather(pos_v, [col16])
            pyc = plsc.load_gather(pos_v, [col16 + 1])
            pzc = plsc.load_gather(pos_v, [col16 + 2])
            dx = pxr - pxc
            dy = pyr - pyc
            dz = pzr - pzc
            d2 = dx * dx + dy * dy + dz * dz
            dist = d2 * _rsqrt_nr(d2)
            inv = 1.0 / (dist + 1e-8)
            r = dist * (1.0 / 4.5)
            r2 = r * r
            r4 = r2 * r2
            r5 = r4 * r
            r6 = r5 * r
            r7 = r6 * r
            coe = 1.0 - 21.0 * r5 + 35.0 * r6 - 15.0 * r7
            gs = inv * coe
            base = (lane + q) * 8
            plsc.store_scatter(geom_v, [base], dist)
            plsc.store_scatter(geom_v, [base + 1], dx * gs)
            plsc.store_scatter(geom_v, [base + 2], dy * gs)
            plsc.store_scatter(geom_v, [base + 3], dz * gs)
        a1.wait()
        a2.wait()
        pltpu.sync_copy(gsrc_v, gsrc_hbm.at[pl.ds(e0, _EB), :])
        pltpu.sync_copy(gdst_v, gdst_hbm.at[pl.ds(e0, _EB), :])
        pltpu.sync_copy(geom_v, geom_hbm.at[pl.ds(e0 * 8, _EB * 8)])
        return carry

    lax.fori_loop(0, nblk, body, 0)


def _gather_call(x, pos4, row, col):
    n_nodes, f = x.shape
    n_edges = row.shape[0]
    fn = pl.kernel(
        _gather_body,
        out_type=[
            jax.ShapeDtypeStruct((n_edges, f), jnp.float32),
            jax.ShapeDtypeStruct((n_edges, f), jnp.float32),
            jax.ShapeDtypeStruct((n_edges * 8,), jnp.float32),
        ],
        mesh=plsc.VectorSubcoreMesh(core_axis_name="c", subcore_axis_name="s"),
        compiler_params=pltpu.CompilerParams(needs_layout_passes=False),
        scratch_types=[
            pltpu.VMEM((n_nodes * 4,), jnp.float32),
            pltpu.VMEM((_EB,), jnp.int32),
            pltpu.VMEM((_EB,), jnp.int32),
            pltpu.VMEM((_EB, f), jnp.float32),
            pltpu.VMEM((_EB, f), jnp.float32),
            pltpu.VMEM((_EB * 8,), jnp.float32),
            pltpu.SemaphoreType.DMA,
        ],
    )
    return fn(x, pos4, row, col)


def _mlp_body(gsrc_ref, gdst_ref, geom_ref, wsrc_ref, wdst_ref, wd_ref,
              b1_ref, wb_ref, b2_ref, out_ref):
    pre = jnp.dot(gsrc_ref[:, :].astype(jnp.bfloat16), wsrc_ref[:, :],
                  preferred_element_type=jnp.float32)
    pre = pre + jnp.dot(gdst_ref[:, :].astype(jnp.bfloat16), wdst_ref[:, :],
                        preferred_element_type=jnp.float32)
    dist_bf = geom_ref[:, 0:1].astype(jnp.bfloat16).astype(jnp.float32)
    pre = pre + dist_bf * wd_ref[:, :].astype(jnp.float32) + b1_ref[:, :]
    sil = pre * jax.nn.sigmoid(pre)
    mes = jnp.dot(sil.astype(jnp.bfloat16), wb_ref[:, :],
                  preferred_element_type=jnp.float32)
    mes = mes + b2_ref[:, :]
    g = geom_ref[:, 1:4]
    out_ref[:, :] = jnp.concatenate(
        [g * mes[:, 0:1], g * mes[:, 1:2],
         jnp.zeros((out_ref.shape[0], 2), jnp.float32)], axis=1)


def _mlp_call(gsrc, gdst, geom, wsrc, wdst, wd, b1, wb, b2):
    n_edges, f = gsrc.shape
    h2 = wsrc.shape[1]
    grid = (n_edges // _BE,)
    return pl.pallas_call(
        _mlp_body,
        grid=grid,
        in_specs=[
            pl.BlockSpec((_BE, f), lambda i: (i, 0)),
            pl.BlockSpec((_BE, f), lambda i: (i, 0)),
            pl.BlockSpec((_BE, 8), lambda i: (i, 0)),
            pl.BlockSpec((f, h2), lambda i: (0, 0)),
            pl.BlockSpec((f, h2), lambda i: (0, 0)),
            pl.BlockSpec((1, h2), lambda i: (0, 0)),
            pl.BlockSpec((1, h2), lambda i: (0, 0)),
            pl.BlockSpec((h2, 2), lambda i: (0, 0)),
            pl.BlockSpec((1, 2), lambda i: (0, 0)),
        ],
        out_specs=pl.BlockSpec((_BE, 8), lambda i: (i, 0)),
        out_shape=jax.ShapeDtypeStruct((n_edges, 8), jnp.float32),
    )(gsrc, gdst, geom, wsrc, wdst, wd, b1, wb, b2)


_NP = 10240


def _scatter_body(vecf_hbm, col_hbm, zerosf_hbm, out_hbm, vec_v, col_v, acc_v):
    c = lax.axis_index("c")
    s = lax.axis_index("s")
    wid = s * _NC + c
    n_edges = col_hbm.shape[0]
    nper = n_edges // _NW
    pltpu.sync_copy(zerosf_hbm, acc_v)

    def body(j, carry):
        e0 = wid * nper + j * _EB
        pltpu.sync_copy(col_hbm.at[pl.ds(e0, _EB)], col_v)
        pltpu.sync_copy(vecf_hbm.at[pl.ds(e0 * 8, _EB * 8)], vec_v)
        for k in range(_EB // 16):
            q = k * 16
            col16 = col_v[pl.ds(q, 16)]
            lane = lax.iota(jnp.int32, 16)
            src = (lane + q) * 8
            for comp in range(6):
                val = plsc.load_gather(vec_v, [src + comp])
                plsc.addupdate_scatter(acc_v, [col16 + comp * _NP], val)
        return carry

    lax.fori_loop(0, nper // _EB, body, 0)
    pltpu.sync_copy(acc_v, out_hbm.at[wid])


def _scatter_call(vec, col, zerosf):
    acc_sz = zerosf.shape[0]
    fn = pl.kernel(
        _scatter_body,
        out_type=[jax.ShapeDtypeStruct((_NW, acc_sz), jnp.float32)],
        mesh=plsc.VectorSubcoreMesh(core_axis_name="c", subcore_axis_name="s"),
        compiler_params=pltpu.CompilerParams(needs_layout_passes=False),
        scratch_types=[
            pltpu.VMEM((_EB * 8,), jnp.float32),
            pltpu.VMEM((_EB,), jnp.int32),
            pltpu.VMEM((acc_sz,), jnp.float32),
        ],
    )
    return fn(vec.reshape(-1), col, zerosf)[0]


def _norm_body(p_ref, out_ref):
    p = jnp.sum(p_ref[...], axis=0)
    v1 = p[0:3, :]
    v2 = p[3:6, :]
    n1 = v1 / (jnp.sqrt(jnp.sum(v1 * v1, axis=0, keepdims=True)) + 1e-8)
    dot = jnp.sum(n1 * v2, axis=0, keepdims=True)
    n2p = v2 - dot * n1
    n2 = n2p / (jnp.sqrt(jnp.sum(n2p * n2p, axis=0, keepdims=True)) + 1e-8)
    n3x = n1[1:2, :] * n2[2:3, :] - n1[2:3, :] * n2[1:2, :]
    n3y = n1[2:3, :] * n2[0:1, :] - n1[0:1, :] * n2[2:3, :]
    n3z = n1[0:1, :] * n2[1:2, :] - n1[1:2, :] * n2[0:1, :]
    out_ref[:, :] = jnp.concatenate([n1, n2, n3x, n3y, n3z], axis=0)


def _norm_call(parts):
    return pl.pallas_call(
        _norm_body,
        out_shape=jax.ShapeDtypeStruct((9, _NP), jnp.float32),
    )(parts)


def kernel(x, pos, W1a, b1a, W1b, b1b, W2a, b2a, W2b, b2b, edge_index):
    n_nodes, f = x.shape
    h = W1a.shape[1]
    row = edge_index[0]
    col = edge_index[1]
    pos4 = jnp.pad(pos, ((0, 0), (0, 1))).reshape(-1)
    wsrc = jnp.concatenate([W1a[:f], W2a[:f]], axis=1).astype(jnp.bfloat16)
    wdst = jnp.concatenate([W1a[f:2 * f], W2a[f:2 * f]],
                           axis=1).astype(jnp.bfloat16)
    wd = jnp.concatenate([W1a[2 * f], W2a[2 * f]])[None, :].astype(jnp.bfloat16)
    b1 = jnp.concatenate([b1a, b2a])[None, :]
    zcol = jnp.zeros((h, 1), jnp.float32)
    wb = jnp.concatenate([
        jnp.concatenate([W1b, zcol], axis=0),
        jnp.concatenate([zcol, W2b], axis=0),
    ], axis=1).astype(jnp.bfloat16)
    b2 = jnp.concatenate([b1b, b2b])[None, :]
    zerosf = jnp.zeros((6 * _NP,), jnp.float32)

    gsrc, gdst, geomf = _gather_call(x, pos4, row, col)
    geom = geomf.reshape(row.shape[0], 8)
    vec = _mlp_call(gsrc, gdst, geom, wsrc, wdst, wd, b1, wb, b2)
    parts = _scatter_call(vec, col, zerosf).reshape(_NW, 6, _NP)
    out9 = _norm_call(parts)
    return out9[:, :n_nodes].T.reshape(n_nodes, 3, 3)

# --- scband reference (transcript-rebuilt; emitter-appended) ---
"""Pipeline reference for scband-equivariant-layer-8864812499079 (READ-ONLY COPY).

The authoritative reference and input builder live on the scoring server;
editing this copy changes nothing except your own understanding.
"""

import jax, jax.numpy as jnp
import numpy as np

N = 10000
E = 320000
F = 128
H = 256


def _linear_params(key, fin, fout):
    kw, kb = jax.random.split(key)
    bound = 1.0 / np.sqrt(fin)
    W = jax.random.uniform(kw, (fin, fout), minval=-bound, maxval=bound, dtype=jnp.float32)
    b = jax.random.uniform(kb, (fout,), minval=-bound, maxval=bound, dtype=jnp.float32)
    return W, b


def setup_inputs(seed: int = 0) -> dict:
    key = jax.random.key(seed)
    ks = jax.random.split(key, 8)
    x = jax.random.normal(ks[0], (N, F), dtype=jnp.float32)
    pos = jax.random.normal(ks[1], (N, 3), dtype=jnp.float32)
    edge_index = jax.random.randint(ks[2], (2, E), 0, N)
    W1a, b1a = _linear_params(ks[3], 2 * F + 1, H)
    W1b, b1b = _linear_params(ks[4], H, 1)
    W2a, b2a = _linear_params(ks[5], 2 * F + 1, H)
    W2b, b2b = _linear_params(ks[6], H, 1)
    return {"x": x, "pos": pos, "W1a": W1a, "b1a": b1a, "W1b": W1b, "b1b": b1b,
            "W2a": W2a, "b2a": b2a, "W2b": W2b, "b2b": b2b, "edge_index": edge_index}


def _silu(a):
    return a * jax.nn.sigmoid(a)


def reference(x, pos, W1a, b1a, W1b, b1b, W2a, b2a, W2b, b2b, edge_index):
    row = edge_index[0]
    col = edge_index[1]
    d = pos[row] - pos[col]
    dist = jnp.linalg.norm(d, axis=-1, keepdims=True)
    x_ij = jnp.concatenate([x[row], x[col], dist], axis=-1)
    mes1 = _silu(x_ij @ W1a + b1a) @ W1b + b1b
    mes2 = _silu(x_ij @ W2a + b2a) @ W2b + b2b
    p = 5.0
    r_max = 4.5
    r = dist / r_max
    coe = 1.0 - (p + 1.0) * (p + 2.0) / 2.0 * r ** p + p * (p + 2.0) * r ** (p + 1.0) - p * (p + 1.0) / 2.0 * r ** (p + 2.0)
    norm_vec = d / (dist + 1e-8)
    vec1 = norm_vec * coe * mes1
    vec2 = norm_vec * coe * mes2
    v1 = jax.ops.segment_sum(vec1, col, num_segments=x.shape[0])
    v2 = jax.ops.segment_sum(vec2, col, num_segments=x.shape[0])
    n1 = v1 / (jnp.linalg.norm(v1, axis=-1, keepdims=True) + 1e-8)
    n2_prime = v2 - jnp.sum(n1 * v2, axis=-1, keepdims=True) * n1
    n2 = n2_prime / (jnp.linalg.norm(n2_prime, axis=-1, keepdims=True) + 1e-8)
    n3 = jnp.cross(n1, n2)
    return jnp.stack([n1, n2, n3], axis=-2)

if __name__ == "__main__":
    import jax
    _d = setup_inputs()
    print(jax.jit(kernel)(*tuple(_d.values())))

</pallas_src>

<mosaic_0001>
#map = affine_map<(d0, d1) -> (0)>
#map1 = affine_map<(d0, d1) -> (0, 0)>
module attributes {stable_mosaic.version = 14 : i64} {
  func.func @_scatter_body(%arg0: i32, %arg1: i32, %arg2: memref<2560000xf32, #tpu.memory_space<hbm>>, %arg3: memref<320000xi32, #tpu.memory_space<hbm>>, %arg4: memref<61440xf32, #tpu.memory_space<hbm>>, %arg5: memref<32x61440xf32, #tpu.memory_space<hbm>>, %arg6: memref<640xf32, #tpu.memory_space<vmem>>, %arg7: memref<80xi32, #tpu.memory_space<vmem>>, %arg8: memref<61440xf32, #tpu.memory_space<vmem>>) attributes {dimension_semantics = [#tpu.dimension_semantics<core_parallel>, #tpu.dimension_semantics<subcore_parallel>], iteration_bounds = array<i64: 2, 16>, scalar_prefetch = 0 : i64, scratch_operands = 3 : i64, tpu.core_type = #tpu.core_type<sc_vector_subcore>, window_params = [{transform_indices = #map}, {transform_indices = #map}, {transform_indices = #map}, {transform_indices = #map1}]} {
    %mul3A = arith.constant 2 : i32
    %mul3A_0 = arith.muli %arg1, %mul3A : i32
    %add3A = arith.addi %mul3A_0, %arg0 : i32
    "tpu.region"() ({
      %run_scoped3A = tpu.sem_alloc : memref<!tpu.dma_semaphore, #tpu.memory_space<semaphore_mem>>
      tpu.enqueue_dma source(%arg4 : memref<61440xf32, #tpu.memory_space<hbm>>) target(%arg8 : memref<61440xf32, #tpu.memory_space<vmem>>) target_semaphore(%run_scoped3A : memref<!tpu.dma_semaphore, #tpu.memory_space<semaphore_mem>>)
      tpu.wait_dma2 semaphore(%run_scoped3A : memref<!tpu.dma_semaphore, #tpu.memory_space<semaphore_mem>>) src(%arg4 : memref<61440xf32, #tpu.memory_space<hbm>>) dst(%arg8 : memref<61440xf32, #tpu.memory_space<vmem>>)
      tpu.yield
    }) : () -> ()
    %scan3A = arith.constant 0 : i32
    %scan3A_1 = arith.constant 0 : i32
    %scan3A_2 = arith.constant 125 : i32
    %scan3A_3 = arith.addi %scan3A_1, %scan3A_2 : i32
    %scan3A_4 = arith.constant 1 : i32
    scf.for %scan3A_6 = %scan3A_1 to %scan3A_3 step %scan3A_4  : i32 {
      %mul3A_7 = arith.constant 10000 : i32
      %mul3A_8 = arith.muli %add3A, %mul3A_7 : i32
      %mul3A_9 = arith.constant 80 : i32
      %mul3A_10 = arith.muli %scan3A_6, %mul3A_9 : i32
      %add3A_11 = arith.addi %mul3A_8, %mul3A_10 : i32
      "tpu.region"() ({
        %run_scoped3A = tpu.sem_alloc : memref<!tpu.dma_semaphore, #tpu.memory_space<semaphore_mem>>
        %dma_start3A = tpu.memref_slice %arg3[%add3A_11] : memref<320000xi32, #tpu.memory_space<hbm>> -> memref<80xi32, #tpu.memory_space<hbm>>
        %dma_start3A_266 = tpu.memref_slice %arg3[%add3A_11] : memref<320000xi32, #tpu.memory_space<hbm>> -> memref<80xi32, #tpu.memory_space<hbm>>
        tpu.enqueue_dma source(%dma_start3A_266 : memref<80xi32, #tpu.memory_space<hbm>>) target(%arg7 : memref<80xi32, #tpu.memory_space<vmem>>) target_semaphore(%run_scoped3A : memref<!tpu.dma_semaphore, #tpu.memory_space<semaphore_mem>>)
        %dma_wait3A = tpu.memref_slice %arg3[%add3A_11] : memref<320000xi32, #tpu.memory_space<hbm>> -> memref<80xi32, #tpu.memory_space<hbm>>
        %dma_wait3A_267 = tpu.memref_slice %arg3[%add3A_11] : memref<320000xi32, #tpu.memory_space<hbm>> -> memref<80xi32, #tpu.memory_space<hbm>>
        tpu.wait_dma2 semaphore(%run_scoped3A : memref<!tpu.dma_semaphore, #tpu.memory_space<semaphore_mem>>) src(%dma_wait3A_267 : memref<80xi32, #tpu.memory_space<hbm>>) dst(%arg7 : memref<80xi32, #tpu.memory_space<vmem>>)
        tpu.yield
      }) : () -> ()
      %mul3A_12 = arith.constant 8 : i32
      %mul3A_13 = arith.muli %add3A_11, %mul3A_12 : i32
      "tpu.region"() ({
        %run_scoped3A = tpu.sem_alloc : memref<!tpu.dma_semaphore, #tpu.memory_space<semaphore_mem>>
        %dma_start3A = tpu.memref_slice %arg2[%mul3A_13] : memref<2560000xf32, #tpu.memory_space<hbm>> -> memref<640xf32, #tpu.memory_space<hbm>>
        %dma_start3A_266 = tpu.memref_slice %arg2[%mul3A_13] : memref<2560000xf32, #tpu.memory_space<hbm>> -> memref<640xf32, #tpu.memory_space<hbm>>
        tpu.enqueue_dma source(%dma_start3A_266 : memref<640xf32, #tpu.memory_space<hbm>>) target(%arg6 : memref<640xf32, #tpu.memory_space<vmem>>) target_semaphore(%run_scoped3A : memref<!tpu.dma_semaphore, #tpu.memory_space<semaphore_mem>>)
        %dma_wait3A = tpu.memref_slice %arg2[%mul3A_13] : memref<2560000xf32, #tpu.memory_space<hbm>> -> memref<640xf32, #tpu.memory_space<hbm>>
        %dma_wait3A_267 = tpu.memref_slice %arg2[%mul3A_13] : memref<2560000xf32, #tpu.memory_space<hbm>> -> memref<640xf32, #tpu.memory_space<hbm>>
        tpu.wait_dma2 semaphore(%run_scoped3A : memref<!tpu.dma_semaphore, #tpu.memory_space<semaphore_mem>>) src(%dma_wait3A_267 : memref<640xf32, #tpu.memory_space<hbm>>) dst(%arg6 : memref<640xf32, #tpu.memory_space<vmem>>)
        tpu.yield
      }) : () -> ()
      %get3A = arith.constant 0 : index
      %get3A_14 = tpu.vector_load %arg7[%get3A] {strides = array<i32>} : memref<80xi32, #tpu.memory_space<vmem>>, vector<16xi32>,
      %iota3A = tpu.iota {dimensions = array<i32: 0>} : vector<16xi32>
      %add3A_15 = arith.constant 0 : i32
      %add3A_16 = vector.broadcast %add3A_15 : i32 to vector<16xi32>
      %add3A_17 = arith.addi %iota3A, %add3A_16 : vector<16xi32>
      %mul3A_18 = arith.constant 8 : i32
      %mul3A_19 = vector.broadcast %mul3A_18 : i32 to vector<16xi32>
      %mul3A_20 = arith.muli %add3A_17, %mul3A_19 : vector<16xi32>
      %add3A_21 = arith.constant 0 : i32
      %add3A_22 = vector.broadcast %add3A_21 : i32 to vector<16xi32>
      %add3A_23 = arith.addi %mul3A_20, %add3A_22 : vector<16xi32>
      %gather3A = tpu.vector_load_idx %arg6[%add3A_23] : memref<640xf32, #tpu.memory_space<vmem>>[vector<16xi32>], vector<16xf32>,
      %add3A_24 = arith.constant 0 : i32
      %add3A_25 = vector.broadcast %add3A_24 : i32 to vector<16xi32>
      %add3A_26 = arith.addi %get3A_14, %add3A_25 : vector<16xi32>
      tpu.vector_store_idx %arg8[%add3A_26], %gather3A {add = true} : memref<61440xf32, #tpu.memory_space<vmem>>[vector<16xi32>], vector<16xf32>,
      %add3A_27 = arith.constant 1 : i32
      %add3A_28 = vector.broadcast %add3A_27 : i32 to vector<16xi32>
      %add3A_29 = arith.addi %mul3A_20, %add3A_28 : vector<16xi32>
      %gather3A_30 = tpu.vector_load_idx %arg6[%add3A_29] : memref<640xf32, #tpu.memory_space<vmem>>[vector<16xi32>], vector<16xf32>,
      %add3A_31 = arith.constant 10240 : i32
      %add3A_32 = vector.broadcast %add3A_31 : i32 to vector<16xi32>
      %add3A_33 = arith.addi %get3A_14, %add3A_32 : vector<16xi32>
      tpu.vector_store_idx %arg8[%add3A_33], %gather3A_30 {add = true} : memref<61440xf32, #tpu.memory_space<vmem>>[vector<16xi32>], vector<16xf32>,
      %add3A_34 = arith.constant 2 : i32
      %add3A_35 = vector.broadcast %add3A_34 : i32 to vector<16xi32>
      %add3A_36 = arith.addi %mul3A_20, %add3A_35 : vector<16xi32>
      %gather3A_37 = tpu.vector_load_idx %arg6[%add3A_36] : memref<640xf32, #tpu.memory_space<vmem>>[vector<16xi32>], vector<16xf32>,
      %add3A_38 = arith.constant 20480 : i32
      %add3A_39 = vector.broadcast %add3A_38 : i32 to vector<16xi32>
      %add3A_40 = arith.addi %get3A_14, %add3A_39 : vector<16xi32>
      tpu.vector_store_idx %arg8[%add3A_40], %gather3A_37 {add = true} : memref<61440xf32, #tpu.memory_space<vmem>>[vector<16xi32>], vector<16xf32>,
      %add3A_41 = arith.constant 3 : i32
      %add3A_42 = vector.broadcast %add3A_41 : i32 to vector<16xi32>
      %add3A_43 = arith.addi %mul3A_20, %add3A_42 : vector<16xi32>
      %gather3A_44 = tpu.vector_load_idx %arg6[%add3A_43] : memref<640xf32, #tpu.memory_space<vmem>>[vector<16xi32>], vector<16xf32>,
      %add3A_45 = arith.constant 30720 : i32
      %add3A_46 = vector.broadcast %add3A_45 : i32 to vector<16xi32>
      %add3A_47 = arith.addi %get3A_14, %add3A_46 : vector<16xi32>
      tpu.vector_store_idx %arg8[%add3A_47], %gather3A_44 {add = true} : memref<61440xf32, #tpu.memory_space<vmem>>[vector<16xi32>], vector<16xf32>,
      %add3A_48 = arith.constant 4 : i32
      %add3A_49 = vector.broadcast %add3A_48 : i32 to vector<16xi32>
      %add3A_50 = arith.addi %mul3A_20, %add3A_49 : vector<16xi32>
      %gather3A_51 = tpu.vector_load_idx %arg6[%add3A_50] : memref<640xf32, #tpu.memory_space<vmem>>[vector<16xi32>], vector<16xf32>,
      %add3A_52 = arith.constant 40960 : i32
      %add3A_53 = vector.broadcast %add3A_52 : i32 to vector<16xi32>
      %add3A_54 = arith.addi %get3A_14, %add3A_53 : vector<16xi32>
      tpu.vector_store_idx %arg8[%add3A_54], %gather3A_51 {add = true} : memref<61440xf32, #tpu.memory_space<vmem>>[vector<16xi32>], vector<16xf32>,
      %add3A_55 = arith.constant 5 : i32
      %add3A_56 = vector.broadcast %add3A_55 : i32 to vector<16xi32>
      %add3A_57 = arith.addi %mul3A_20, %add3A_56 : vector<16xi32>
      %gather3A_58 = tpu.vector_load_idx %arg6[%add3A_57] : memref<640xf32, #tpu.memory_space<vmem>>[vector<16xi32>], vector<16xf32>,
      %add3A_59 = arith.constant 51200 : i32
      %add3A_60 = vector.broadcast %add3A_59 : i32 to vector<16xi32>
      %add3A_61 = arith.addi %get3A_14, %add3A_60 : vector<16xi32>
      tpu.vector_store_idx %arg8[%add3A_61], %gather3A_58 {add = true} : memref<61440xf32, #tpu.memory_space<vmem>>[vector<16xi32>], vector<16xf32>,
      %get3A_62 = arith.constant 16 : index
      %get3A_63 = tpu.vector_load %arg7[%get3A_62] {strides = array<i32>} : memref<80xi32, #tpu.memory_space<vmem>>, vector<16xi32>,
      %iota3A_64 = tpu.iota {dimensions = array<i32: 0>} : vector<16xi32>
      %add3A_65 = arith.constant 16 : i32
      %add3A_66 = vector.broadcast %add3A_65 : i32 to vector<16xi32>
      %add3A_67 = arith.addi %iota3A_64, %add3A_66 : vector<16xi32>
      %mul3A_68 = arith.constant 8 : i32
      %mul3A_69 = vector.broadcast %mul3A_68 : i32 to vector<16xi32>
      %mul3A_70 = arith.muli %add3A_67, %mul3A_69 : vector<16xi32>
      %add3A_71 = arith.constant 0 : i32
      %add3A_72 = vector.broadcast %add3A_71 : i32 to vector<16xi32>
      %add3A_73 = arith.addi %mul3A_70, %add3A_72 : vector<16xi32>
      %gather3A_74 = tpu.vector_load_idx %arg6[%add3A_73] : memref<640xf32, #tpu.memory_space<vmem>>[vector<16xi32>], vector<16xf32>,
      %add3A_75 = arith.constant 0 : i32
      %add3A_76 = vector.broadcast %add3A_75 : i32 to vector<16xi32>
      %add3A_77 = arith.addi %get3A_63, %add3A_76 : vector<16xi32>
      tpu.vector_store_idx %arg8[%add3A_77], %gather3A_74 {add = true} : memref<61440xf32, #tpu.memory_space<vmem>>[vector<16xi32>], vector<16xf32>,
      %add3A_78 = arith.constant 1 : i32
      %add3A_79 = vector.broadcast %add3A_78 : i32 to vector<16xi32>
      %add3A_80 = arith.addi %mul3A_70, %add3A_79 : vector<16xi32>
      %gather3A_81 = tpu.vector_load_idx %arg6[%add3A_80] : memref<640xf32, #tpu.memory_space<vmem>>[vector<16xi32>], vector<16xf32>,
      %add3A_82 = arith.constant 10240 : i32
      %add3A_83 = vector.broadcast %add3A_82 : i32 to vector<16xi32>
      %add3A_84 = arith.addi %get3A_63, %add3A_83 : vector<16xi32>
      tpu.vector_store_idx %arg8[%add3A_84], %gather3A_81 {add = true} : memref<61440xf32, #tpu.memory_space<vmem>>[vector<16xi32>], vector<16xf32>,
      %add3A_85 = arith.constant 2 : i32
      %add3A_86 = vector.broadcast %add3A_85 : i32 to vector<16xi32>
      %add3A_87 = arith.addi %mul3A_70, %add3A_86 : vector<16xi32>
      %gather3A_88 = tpu.vector_load_idx %arg6[%add3A_87] : memref<640xf32, #tpu.memory_space<vmem>>[vector<16xi32>], vector<16xf32>,
      %add3A_89 = arith.constant 20480 : i32
      %add3A_90 = vector.broadcast %add3A_89 : i32 to vector<16xi32>
      %add3A_91 = arith.addi %get3A_63, %add3A_90 : vector<16xi32>
      tpu.vector_store_idx %arg8[%add3A_91], %gather3A_88 {add = true} : memref<61440xf32, #tpu.memory_space<vmem>>[vector<16xi32>], vector<16xf32>,
      %add3A_92 = arith.constant 3 : i32
      %add3A_93 = vector.broadcast %add3A_92 : i32 to vector<16xi32>
      %add3A_94 = arith.addi %mul3A_70, %add3A_93 : vector<16xi32>
      %gather3A_95 = tpu.vector_load_idx %arg6[%add3A_94] : memref<640xf32, #tpu.memory_space<vmem>>[vector<16xi32>], vector<16xf32>,
      %add3A_96 = arith.constant 30720 : i32
      %add3A_97 = vector.broadcast %add3A_96 : i32 to vector<16xi32>
      %add3A_98 = arith.addi %get3A_63, %add3A_97 : vector<16xi32>
      tpu.vector_store_idx %arg8[%add3A_98], %gather3A_95 {add = true} : memref<61440xf32, #tpu.memory_space<vmem>>[vector<16xi32>], vector<16xf32>,
      %add3A_99 = arith.constant 4 : i32
      %add3A_100 = vector.broadcast %add3A_99 : i32 to vector<16xi32>
      %add3A_101 = arith.addi %mul3A_70, %add3A_100 : vector<16xi32>
      %gather3A_102 = tpu.vector_load_idx %arg6[%add3A_101] : memref<640xf32, #tpu.memory_space<vmem>>[vector<16xi32>], vector<16xf32>,
      %add3A_103 = arith.constant 40960 : i32
      %add3A_104 = vector.broadcast %add3A_103 : i32 to vector<16xi32>
      %add3A_105 = arith.addi %get3A_63, %add3A_104 : vector<16xi32>
      tpu.vector_store_idx %arg8[%add3A_105], %gather3A_102 {add = true} : memref<61440xf32, #tpu.memory_space<vmem>>[vector<16xi32>], vector<16xf32>,
      %add3A_106 = arith.constant 5 : i32
      %add3A_107 = vector.broadcast %add3A_106 : i32 to vector<16xi32>
      %add3A_108 = arith.addi %mul3A_70, %add3A_107 : vector<16xi32>
      %gather3A_109 = tpu.vector_load_idx %arg6[%add3A_108] : memref<640xf32, #tpu.memory_space<vmem>>[vector<16xi32>], vector<16xf32>,
      %add3A_110 = arith.constant 51200 : i32
      %add3A_111 = vector.broadcast %add3A_110 : i32 to vector<16xi32>
      %add3A_112 = arith.addi %get3A_63, %add3A_111 : vector<16xi32>
      tpu.vector_store_idx %arg8[%add3A_112], %gather3A_109 {add = true} : memref<61440xf32, #tpu.memory_space<vmem>>[vector<16xi32>], vector<16xf32>,
      %get3A_113 = arith.constant 32 : index
      %get3A_114 = tpu.vector_load %arg7[%get3A_113] {strides = array<i32>} : memref<80xi32, #tpu.memory_space<vmem>>, vector<16xi32>,
      %iota3A_115 = tpu.iota {dimensions = array<i32: 0>} : vector<16xi32>
      %add3A_116 = arith.constant 32 : i32
      %add3A_117 = vector.broadcast %add3A_116 : i32 to vector<16xi32>
      %add3A_118 = arith.addi %iota3A_115, %add3A_117 : vector<16xi32>
      %mul3A_119 = arith.constant 8 : i32
      %mul3A_120 = vector.broadcast %mul3A_119 : i32 to vector<16xi32>
      %mul3A_121 = arith.muli %add3A_118, %mul3A_120 : vector<16xi32>
      %add3A_122 = arith.constant 0 : i32
      %add3A_123 = vector.broadcast %add3A_122 : i32 to vector<16xi32>
      %add3A_124 = arith.addi %mul3A_121, %add3A_123 : vector<16xi32>
      %gather3A_125 = tpu.vector_load_idx %arg6[%add3A_124] : memref<640xf32, #tpu.memory_space<vmem>>[vector<16xi32>], vector<16xf32>,
      %add3A_126 = arith.constant 0 : i32
      %add3A_127 = vector.broadcast %add3A_126 : i32 to vector<16xi32>
      %add3A_128 = arith.addi %get3A_114, %add3A_127 : vector<16xi32>
      tpu.vector_store_idx %arg8[%add3A_128], %gather3A_125 {add = true} : memref<61440xf32, #tpu.memory_space<vmem>>[vector<16xi32>], vector<16xf32>,
      %add3A_129 = arith.constant 1 : i32
      %add3A_130 = vector.broadcast %add3A_129 : i32 to vector<16xi32>
      %add3A_131 = arith.addi %mul3A_121, %add3A_130 : vector<16xi32>
      %gather3A_132 = tpu.vector_load_idx %arg6[%add3A_131] : memref<640xf32, #tpu.memory_space<vmem>>[vector<16xi32>], vector<16xf32>,
      %add3A_133 = arith.constant 10240 : i32
      %add3A_134 = vector.broadcast %add3A_133 : i32 to vector<16xi32>
      %add3A_135 = arith.addi %get3A_114, %add3A_134 : vector<16xi32>
      tpu.vector_store_idx %arg8[%add3A_135], %gather3A_132 {add = true} : memref<61440xf32, #tpu.memory_space<vmem>>[vector<16xi32>], vector<16xf32>,
      %add3A_136 = arith.constant 2 : i32
      %add3A_137 = vector.broadcast %add3A_136 : i32 to vector<16xi32>
      %add3A_138 = arith.addi %mul3A_121, %add3A_137 : vector<16xi32>
      %gather3A_139 = tpu.vector_load_idx %arg6[%add3A_138] : memref<640xf32, #tpu.memory_space<vmem>>[vector<16xi32>], vector<16xf32>,
      %add3A_140 = arith.constant 20480 : i32
      %add3A_141 = vector.broadcast %add3A_140 : i32 to vector<16xi32>
      %add3A_142 = arith.addi %get3A_114, %add3A_141 : vector<16xi32>
      tpu.vector_store_idx %arg8[%add3A_142], %gather3A_139 {add = true} : memref<61440xf32, #tpu.memory_space<vmem>>[vector<16xi32>], vector<16xf32>,
      %add3A_143 = arith.constant 3 : i32
      %add3A_144 = vector.broadcast %add3A_143 : i32 to vector<16xi32>
      %add3A_145 = arith.addi %mul3A_121, %add3A_144 : vector<16xi32>
      %gather3A_146 = tpu.vector_load_idx %arg6[%add3A_145] : memref<640xf32, #tpu.memory_space<vmem>>[vector<16xi32>], vector<16xf32>,
      %add3A_147 = arith.constant 30720 : i32
      %add3A_148 = vector.broadcast %add3A_147 : i32 to vector<16xi32>
      %add3A_149 = arith.addi %get3A_114, %add3A_148 : vector<16xi32>
      tpu.vector_store_idx %arg8[%add3A_149], %gather3A_146 {add = true} : memref<61440xf32, #tpu.memory_space<vmem>>[vector<16xi32>], vector<16xf32>,
      %add3A_150 = arith.constant 4 : i32
      %add3A_151 = vector.broadcast %add3A_150 : i32 to vector<16xi32>
      %add3A_152 = arith.addi %mul3A_121, %add3A_151 : vector<16xi32>
      %gather3A_153 = tpu.vector_load_idx %arg6[%add3A_152] : memref<640xf32, #tpu.memory_space<vmem>>[vector<16xi32>], vector<16xf32>,
      %add3A_154 = arith.constant 40960 : i32
      %add3A_155 = vector.broadcast %add3A_154 : i32 to vector<16xi32>
      %add3A_156 = arith.addi %get3A_114, %add3A_155 : vector<16xi32>
      tpu.vector_store_idx %arg8[%add3A_156], %gather3A_153 {add = true} : memref<61440xf32, #tpu.memory_space<vmem>>[vector<16xi32>], vector<16xf32>,
      %add3A_157 = arith.constant 5 : i32
      %add3A_158 = vector.broadcast %add3A_157 : i32 to vector<16xi32>
      %add3A_159 = arith.addi %mul3A_121, %add3A_158 : vector<16xi32>
      %gather3A_160 = tpu.vector_load_idx %arg6[%add3A_159] : memref<640xf32, #tpu.memory_space<vmem>>[vector<16xi32>], vector<16xf32>,
      %add3A_161 = arith.constant 51200 : i32
      %add3A_162 = vector.broadcast %add3A_161 : i32 to vector<16xi32>
      %add3A_163 = arith.addi %get3A_114, %add3A_162 : vector<16xi32>
      tpu.vector_store_idx %arg8[%add3A_163], %gather3A_160 {add = true} : memref<61440xf32, #tpu.memory_space<vmem>>[vector<16xi32>], vector<16xf32>,
      %get3A_164 = arith.constant 48 : index
      %get3A_165 = tpu.vector_load %arg7[%get3A_164] {strides = array<i32>} : memref<80xi32, #tpu.memory_space<vmem>>, vector<16xi32>,
      %iota3A_166 = tpu.iota {dimensions = array<i32: 0>} : vector<16xi32>
      %add3A_167 = arith.constant 48 : i32
      %add3A_168 = vector.broadcast %add3A_167 : i32 to vector<16xi32>
      %add3A_169 = arith.addi %iota3A_166, %add3A_168 : vector<16xi32>
      %mul3A_170 = arith.constant 8 : i32
      %mul3A_171 = vector.broadcast %mul3A_170 : i32 to vector<16xi32>
      %mul3A_172 = arith.muli %add3A_169, %mul3A_171 : vector<16xi32>
      %add3A_173 = arith.constant 0 : i32
      %add3A_174 = vector.broadcast %add3A_173 : i32 to vector<16xi32>
      %add3A_175 = arith.addi %mul3A_172, %add3A_174 : vector<16xi32>
      %gather3A_176 = tpu.vector_load_idx %arg6[%add3A_175] : memref<640xf32, #tpu.memory_space<vmem>>[vector<16xi32>], vector<16xf32>,
      %add3A_177 = arith.constant 0 : i32
      %add3A_178 = vector.broadcast %add3A_177 : i32 to vector<16xi32>
      %add3A_179 = arith.addi %get3A_165, %add3A_178 : vector<16xi32>
      tpu.vector_store_idx %arg8[%add3A_179], %gather3A_176 {add = true} : memref<61440xf32, #tpu.memory_space<vmem>>[vector<16xi32>], vector<16xf32>,
      %add3A_180 = arith.constant 1 : i32
      %add3A_181 = vector.broadcast %add3A_180 : i32 to vector<16xi32>
      %add3A_182 = arith.addi %mul3A_172, %add3A_181 : vector<16xi32>
      %gather3A_183 = tpu.vector_load_idx %arg6[%add3A_182] : memref<640xf32, #tpu.memory_space<vmem>>[vector<16xi32>], vector<16xf32>,
      %add3A_184 = arith.constant 10240 : i32
      %add3A_185 = vector.broadcast %add3A_184 : i32 to vector<16xi32>
      %add3A_186 = arith.addi %get3A_165, %add3A_185 : vector<16xi32>
      tpu.vector_store_idx %arg8[%add3A_186], %gather3A_183 {add = true} : memref<61440xf32, #tpu.memory_space<vmem>>[vector<16xi32>], vector<16xf32>,
      %add3A_187 = arith.constant 2 : i32
      %add3A_188 = vector.broadcast %add3A_187 : i32 to vector<16xi32>
      %add3A_189 = arith.addi %mul3A_172, %add3A_188 : vector<16xi32>
      %gather3A_190 = tpu.vector_load_idx %arg6[%add3A_189] : memref<640xf32, #tpu.memory_space<vmem>>[vector<16xi32>], vector<16xf32>,
      %add3A_191 = arith.constant 20480 : i32
      %add3A_192 = vector.broadcast %add3A_191 : i32 to vector<16xi32>
      %add3A_193 = arith.addi %get3A_165, %add3A_192 : vector<16xi32>
      tpu.vector_store_idx %arg8[%add3A_193], %gather3A_190 {add = true} : memref<61440xf32, #tpu.memory_space<vmem>>[vector<16xi32>], vector<16xf32>,
      %add3A_194 = arith.constant 3 : i32
      %add3A_195 = vector.broadcast %add3A_194 : i32 to vector<16xi32>
      %add3A_196 = arith.addi %mul3A_172, %add3A_195 : vector<16xi32>
      %gather3A_197 = tpu.vector_load_idx %arg6[%add3A_196] : memref<640xf32, #tpu.memory_space<vmem>>[vector<16xi32>], vector<16xf32>,
      %add3A_198 = arith.constant 30720 : i32
      %add3A_199 = vector.broadcast %add3A_198 : i32 to vector<16xi32>
      %add3A_200 = arith.addi %get3A_165, %add3A_199 : vector<16xi32>
      tpu.vector_store_idx %arg8[%add3A_200], %gather3A_197 {add = true} : memref<61440xf32, #tpu.memory_space<vmem>>[vector<16xi32>], vector<16xf32>,
      %add3A_201 = arith.constant 4 : i32
      %add3A_202 = vector.broadcast %add3A_201 : i32 to vector<16xi32>
      %add3A_203 = arith.addi %mul3A_172, %add3A_202 : vector<16xi32>
      %gather3A_204 = tpu.vector_load_idx %arg6[%add3A_203] : memref<640xf32, #tpu.memory_space<vmem>>[vector<16xi32>], vector<16xf32>,
      %add3A_205 = arith.constant 40960 : i32
      %add3A_206 = vector.broadcast %add3A_205 : i32 to vector<16xi32>
      %add3A_207 = arith.addi %get3A_165, %add3A_206 : vector<16xi32>
      tpu.vector_store_idx %arg8[%add3A_207], %gather3A_204 {add = true} : memref<61440xf32, #tpu.memory_space<vmem>>[vector<16xi32>], vector<16xf32>,
      %add3A_208 = arith.constant 5 : i32
      %add3A_209 = vector.broadcast %add3A_208 : i32 to vector<16xi32>
      %add3A_210 = arith.addi %mul3A_172, %add3A_209 : vector<16xi32>
      %gather3A_211 = tpu.vector_load_idx %arg6[%add3A_210] : memref<640xf32, #tpu.memory_space<vmem>>[vector<16xi32>], vector<16xf32>,
      %add3A_212 = arith.constant 51200 : i32
      %add3A_213 = vector.broadcast %add3A_212 : i32 to vector<16xi32>
      %add3A_214 = arith.addi %get3A_165, %add3A_213 : vector<16xi32>
      tpu.vector_store_idx %arg8[%add3A_214], %gather3A_211 {add = true} : memref<61440xf32, #tpu.memory_space<vmem>>[vector<16xi32>], vector<16xf32>,
      %get3A_215 = arith.constant 64 : index
      %get3A_216 = tpu.vector_load %arg7[%get3A_215] {strides = array<i32>} : memref<80xi32, #tpu.memory_space<vmem>>, vector<16xi32>,
      %iota3A_217 = tpu.iota {dimensions = array<i32: 0>} : vector<16xi32>
      %add3A_218 = arith.constant 64 : i32
      %add3A_219 = vector.broadcast %add3A_218 : i32 to vector<16xi32>
      %add3A_220 = arith.addi %iota3A_217, %add3A_219 : vector<16xi32>
      %mul3A_221 = arith.constant 8 : i32
      %mul3A_222 = vector.broadcast %mul3A_221 : i32 to vector<16xi32>
      %mul3A_223 = arith.muli %add3A_220, %mul3A_222 : vector<16xi32>
      %add3A_224 = arith.constant 0 : i32
      %add3A_225 = vector.broadcast %add3A_224 : i32 to vector<16xi32>
      %add3A_226 = arith.addi %mul3A_223, %add3A_225 : vector<16xi32>
      %gather3A_227 = tpu.vector_load_idx %arg6[%add3A_226] : memref<640xf32, #tpu.memory_space<vmem>>[vector<16xi32>], vector<16xf32>,
      %add3A_228 = arith.constant 0 : i32
      %add3A_229 = vector.broadcast %add3A_228 : i32 to vector<16xi32>
      %add3A_230 = arith.addi %get3A_216, %add3A_229 : vector<16xi32>
      tpu.vector_store_idx %arg8[%add3A_230], %gather3A_227 {add = true} : memref<61440xf32, #tpu.memory_space<vmem>>[vector<16xi32>], vector<16xf32>,
      %add3A_231 = arith.constant 1 : i32
      %add3A_232 = vector.broadcast %add3A_231 : i32 to vector<16xi32>
      %add3A_233 = arith.addi %mul3A_223, %add3A_232 : vector<16xi32>
      %gather3A_234 = tpu.vector_load_idx %arg6[%add3A_233] : memref<640xf32, #tpu.memory_space<vmem>>[vector<16xi32>], vector<16xf32>,
      %add3A_235 = arith.constant 10240 : i32
      %add3A_236 = vector.broadcast %add3A_235 : i32 to vector<16xi32>
      %add3A_237 = arith.addi %get3A_216, %add3A_236 : vector<16xi32>
      tpu.vector_store_idx %arg8[%add3A_237], %gather3A_234 {add = true} : memref<61440xf32, #tpu.memory_space<vmem>>[vector<16xi32>], vector<16xf32>,
      %add3A_238 = arith.constant 2 : i32
      %add3A_239 = vector.broadcast %add3A_238 : i32 to vector<16xi32>
      %add3A_240 = arith.addi %mul3A_223, %add3A_239 : vector<16xi32>
      %gather3A_241 = tpu.vector_load_idx %arg6[%add3A_240] : memref<640xf32, #tpu.memory_space<vmem>>[vector<16xi32>], vector<16xf32>,
      %add3A_242 = arith.constant 20480 : i32
      %add3A_243 = vector.broadcast %add3A_242 : i32 to vector<16xi32>
      %add3A_244 = arith.addi %get3A_216, %add3A_243 : vector<16xi32>
      tpu.vector_store_idx %arg8[%add3A_244], %gather3A_241 {add = true} : memref<61440xf32, #tpu.memory_space<vmem>>[vector<16xi32>], vector<16xf32>,
      %add3A_245 = arith.constant 3 : i32
      %add3A_246 = vector.broadcast %add3A_245 : i32 to vector<16xi32>
      %add3A_247 = arith.addi %mul3A_223, %add3A_246 : vector<16xi32>
      %gather3A_248 = tpu.vector_load_idx %arg6[%add3A_247] : memref<640xf32, #tpu.memory_space<vmem>>[vector<16xi32>], vector<16xf32>,
      %add3A_249 = arith.constant 30720 : i32
      %add3A_250 = vector.broadcast %add3A_249 : i32 to vector<16xi32>
      %add3A_251 = arith.addi %get3A_216, %add3A_250 : vector<16xi32>
      tpu.vector_store_idx %arg8[%add3A_251], %gather3A_248 {add = true} : memref<61440xf32, #tpu.memory_space<vmem>>[vector<16xi32>], vector<16xf32>,
      %add3A_252 = arith.constant 4 : i32
      %add3A_253 = vector.broadcast %add3A_252 : i32 to vector<16xi32>
      %add3A_254 = arith.addi %mul3A_223, %add3A_253 : vector<16xi32>
      %gather3A_255 = tpu.vector_load_idx %arg6[%add3A_254] : memref<640xf32, #tpu.memory_space<vmem>>[vector<16xi32>], vector<16xf32>,
      %add3A_256 = arith.constant 40960 : i32
      %add3A_257 = vector.broadcast %add3A_256 : i32 to vector<16xi32>
      %add3A_258 = arith.addi %get3A_216, %add3A_257 : vector<16xi32>
      tpu.vector_store_idx %arg8[%add3A_258], %gather3A_255 {add = true} : memref<61440xf32, #tpu.memory_space<vmem>>[vector<16xi32>], vector<16xf32>,
      %add3A_259 = arith.constant 5 : i32
      %add3A_260 = vector.broadcast %add3A_259 : i32 to vector<16xi32>
      %add3A_261 = arith.addi %mul3A_223, %add3A_260 : vector<16xi32>
      %gather3A_262 = tpu.vector_load_idx %arg6[%add3A_261] : memref<640xf32, #tpu.memory_space<vmem>>[vector<16xi32>], vector<16xf32>,
      %add3A_263 = arith.constant 51200 : i32
      %add3A_264 = vector.broadcast %add3A_263 : i32 to vector<16xi32>
      %add3A_265 = arith.addi %get3A_216, %add3A_264 : vector<16xi32>
      tpu.vector_store_idx %arg8[%add3A_265], %gather3A_262 {add = true} : memref<61440xf32, #tpu.memory_space<vmem>>[vector<16xi32>], vector<16xf32>,
    }
    %scan3A_5 = arith.constant 125 : i32
    "tpu.region"() ({
      %run_scoped3A = tpu.sem_alloc : memref<!tpu.dma_semaphore, #tpu.memory_space<semaphore_mem>>
      %dma_start3A = arith.constant 0 : i32
      %dma_start3A_6 = tpu.memref_slice %arg5[%add3A, %dma_start3A] : memref<32x61440xf32, #tpu.memory_space<hbm>> -> memref<1x61440xf32, #tpu.memory_space<hbm>>
      %dma_start3A_7 = tpu.memref_squeeze %dma_start3A_6 : memref<1x61440xf32, #tpu.memory_space<hbm>> -> memref<61440xf32, #tpu.memory_space<hbm>>
      %dma_start3A_8 = arith.constant 0 : i32
      %dma_start3A_9 = tpu.memref_slice %arg5[%add3A, %dma_start3A_8] : memref<32x61440xf32, #tpu.memory_space<hbm>> -> memref<1x61440xf32, #tpu.memory_space<hbm>>
      %dma_start3A_10 = tpu.memref_squeeze %dma_start3A_9 : memref<1x61440xf32, #tpu.memory_space<hbm>> -> memref<61440xf32, #tpu.memory_space<hbm>>
      tpu.enqueue_dma source(%arg8 : memref<61440xf32, #tpu.memory_space<vmem>>) target(%dma_start3A_10 : memref<61440xf32, #tpu.memory_space<hbm>>) target_semaphore(%run_scoped3A : memref<!tpu.dma_semaphore, #tpu.memory_space<semaphore_mem>>)
      %dma_wait3A = arith.constant 0 : i32
      %dma_wait3A_11 = tpu.memref_slice %arg5[%add3A, %dma_wait3A] : memref<32x61440xf32, #tpu.memory_space<hbm>> -> memref<1x61440xf32, #tpu.memory_space<hbm>>
      %dma_wait3A_12 = tpu.memref_squeeze %dma_wait3A_11 : memref<1x61440xf32, #tpu.memory_space<hbm>> -> memref<61440xf32, #tpu.memory_space<hbm>>
      %dma_wait3A_13 = arith.constant 0 : i32
      %dma_wait3A_14 = tpu.memref_slice %arg5[%add3A, %dma_wait3A_13] : memref<32x61440xf32, #tpu.memory_space<hbm>> -> memref<1x61440xf32, #tpu.memory_space<hbm>>
      %dma_wait3A_15 = tpu.memref_squeeze %dma_wait3A_14 : memref<1x61440xf32, #tpu.memory_space<hbm>> -> memref<61440xf32, #tpu.memory_space<hbm>>
      tpu.wait_dma2 semaphore(%run_scoped3A : memref<!tpu.dma_semaphore, #tpu.memory_space<semaphore_mem>>) src(%arg8 : memref<61440xf32, #tpu.memory_space<vmem>>) dst(%dma_wait3A_15 : memref<61440xf32, #tpu.memory_space<hbm>>)
      tpu.yield
    }) : () -> ()
    return
  }
}

#map = affine_map<(d0, d1) -> (0, 0)>
#map1 = affine_map<(d0, d1) -> (0)>
module attributes {stable_mosaic.version = 14 : i64} {
  func.func @_gather_body(%arg0: i32, %arg1: i32, %arg2: memref<10000x128xf32, #tpu.memory_space<hbm>>, %arg3: memref<40000xf32, #tpu.memory_space<hbm>>, %arg4: memref<320000xi32, #tpu.memory_space<hbm>>, %arg5: memref<320000xi32, #tpu.memory_space<hbm>>, %arg6: memref<320000x128xf32, #tpu.memory_space<hbm>>, %arg7: memref<320000x128xf32, #tpu.memory_space<hbm>>, %arg8: memref<2560000xf32, #tpu.memory_space<hbm>>, %arg9: memref<40000xf32, #tpu.memory_space<vmem>>, %arg10: memref<80xi32, #tpu.memory_space<vmem>>, %arg11: memref<80xi32, #tpu.memory_space<vmem>>, %arg12: memref<80x128xf32, #tpu.memory_space<vmem>>, %arg13: memref<80x128xf32, #tpu.memory_space<vmem>>, %arg14: memref<640xf32, #tpu.memory_space<vmem>>, %arg15: memref<!tpu.dma_semaphore, #tpu.memory_space<semaphore_mem>>) attributes {dimension_semantics = [#tpu.dimension_semantics<core_parallel>, #tpu.dimension_semantics<subcore_parallel>], iteration_bounds = array<i64: 2, 16>, scalar_prefetch = 0 : i64, scratch_operands = 7 : i64, tpu.core_type = #tpu.core_type<sc_vector_subcore>, window_params = [{transform_indices = #map}, {transform_indices = #map1}, {transform_indices = #map1}, {transform_indices = #map1}, {transform_indices = #map}, {transform_indices = #map}, {transform_indices = #map1}]} {
    %mul3A = arith.constant 2 : i32
    %mul3A_0 = arith.muli %arg1, %mul3A : i32
    %add3A = arith.addi %mul3A_0, %arg0 : i32
    "tpu.region"() ({
      %run_scoped3A = tpu.sem_alloc : memref<!tpu.dma_semaphore, #tpu.memory_space<semaphore_mem>>
      tpu.enqueue_dma source(%arg3 : memref<40000xf32, #tpu.memory_space<hbm>>) target(%arg9 : memref<40000xf32, #tpu.memory_space<vmem>>) target_semaphore(%run_scoped3A : memref<!tpu.dma_semaphore, #tpu.memory_space<semaphore_mem>>)
      tpu.wait_dma2 semaphore(%run_scoped3A : memref<!tpu.dma_semaphore, #tpu.memory_space<semaphore_mem>>) src(%arg3 : memref<40000xf32, #tpu.memory_space<hbm>>) dst(%arg9 : memref<40000xf32, #tpu.memory_space<vmem>>)
      tpu.yield
    }) : () -> ()
    %scan3A = arith.constant 0 : i32
    %scan3A_1 = arith.constant 0 : i32
    %scan3A_2 = arith.constant 125 : i32
    %scan3A_3 = arith.addi %scan3A_1, %scan3A_2 : i32
    %scan3A_4 = arith.constant 1 : i32
    scf.for %scan3A_6 = %scan3A_1 to %scan3A_3 step %scan3A_4  : i32 {
      %mul3A_7 = arith.constant 10000 : i32
      %mul3A_8 = arith.muli %add3A, %mul3A_7 : i32
      %mul3A_9 = arith.constant 80 : i32
      %mul3A_10 = arith.muli %scan3A_6, %mul3A_9 : i32
      %add3A_11 = arith.addi %mul3A_8, %mul3A_10 : i32
      "tpu.region"() ({
        %run_scoped3A = tpu.sem_alloc : memref<!tpu.dma_semaphore, #tpu.memory_space<semaphore_mem>>
        %dma_start3A_617 = tpu.memref_slice %arg4[%add3A_11] : memref<320000xi32, #tpu.memory_space<hbm>> -> memref<80xi32, #tpu.memory_space<hbm>>
        %dma_start3A_618 = tpu.memref_slice %arg4[%add3A_11] : memref<320000xi32, #tpu.memory_space<hbm>> -> memref<80xi32, #tpu.memory_space<hbm>>
        tpu.enqueue_dma source(%dma_start3A_618 : memref<80xi32, #tpu.memory_space<hbm>>) target(%arg10 : memref<80xi32, #tpu.memory_space<vmem>>) target_semaphore(%run_scoped3A : memref<!tpu.dma_semaphore, #tpu.memory_space<semaphore_mem>>)
        %dma_wait3A_619 = tpu.memref_slice %arg4[%add3A_11] : memref<320000xi32, #tpu.memory_space<hbm>> -> memref<80xi32, #tpu.memory_space<hbm>>
        %dma_wait3A_620 = tpu.memref_slice %arg4[%add3A_11] : memref<320000xi32, #tpu.memory_space<hbm>> -> memref<80xi32, #tpu.memory_space<hbm>>
        tpu.wait_dma2 semaphore(%run_scoped3A : memref<!tpu.dma_semaphore, #tpu.memory_space<semaphore_mem>>) src(%dma_wait3A_620 : memref<80xi32, #tpu.memory_space<hbm>>) dst(%arg10 : memref<80xi32, #tpu.memory_space<vmem>>)
        tpu.yield
      }) : () -> ()
      "tpu.region"() ({
        %run_scoped3A = tpu.sem_alloc : memref<!tpu.dma_semaphore, #tpu.memory_space<semaphore_mem>>
        %dma_start3A_617 = tpu.memref_slice %arg5[%add3A_11] : memref<320000xi32, #tpu.memory_space<hbm>> -> memref<80xi32, #tpu.memory_space<hbm>>
        %dma_start3A_618 = tpu.memref_slice %arg5[%add3A_11] : memref<320000xi32, #tpu.memory_space<hbm>> -> memref<80xi32, #tpu.memory_space<hbm>>
        tpu.enqueue_dma source(%dma_start3A_618 : memref<80xi32, #tpu.memory_space<hbm>>) target(%arg11 : memref<80xi32, #tpu.memory_space<vmem>>) target_semaphore(%run_scoped3A : memref<!tpu.dma_semaphore, #tpu.memory_space<semaphore_mem>>)
        %dma_wait3A_619 = tpu.memref_slice %arg5[%add3A_11] : memref<320000xi32, #tpu.memory_space<hbm>> -> memref<80xi32, #tpu.memory_space<hbm>>
        %dma_wait3A_620 = tpu.memref_slice %arg5[%add3A_11] : memref<320000xi32, #tpu.memory_space<hbm>> -> memref<80xi32, #tpu.memory_space<hbm>>
        tpu.wait_dma2 semaphore(%run_scoped3A : memref<!tpu.dma_semaphore, #tpu.memory_space<semaphore_mem>>) src(%dma_wait3A_620 : memref<80xi32, #tpu.memory_space<hbm>>) dst(%arg11 : memref<80xi32, #tpu.memory_space<vmem>>)
        tpu.yield
      }) : () -> ()
      %dma_start3A = arith.constant 0 : i32
      %dma_start3A_12 = arith.constant 0 : i32
      %dma_start3A_13 = tpu.memref_slice %arg2[%dma_start3A, %dma_start3A_12] : memref<10000x128xf32, #tpu.memory_space<hbm>> -> memref<10000x128xf32, #tpu.memory_space<hbm>>
      tpu.enqueue_indirect_dma source(%dma_start3A_13 : memref<10000x128xf32, #tpu.memory_space<hbm>>) target(%arg12 : memref<80x128xf32, #tpu.memory_space<vmem>>) offsets(%arg10 : memref<80xi32, #tpu.memory_space<vmem>>) semaphore(%arg15 : memref<!tpu.dma_semaphore, #tpu.memory_space<semaphore_mem>>)
      %dma_start3A_14 = arith.constant 0 : i32
      %dma_start3A_15 = arith.constant 0 : i32
      %dma_start3A_16 = tpu.memref_slice %arg2[%dma_start3A_14, %dma_start3A_15] : memref<10000x128xf32, #tpu.memory_space<hbm>> -> memref<10000x128xf32, #tpu.memory_space<hbm>>
      tpu.enqueue_indirect_dma source(%dma_start3A_16 : memref<10000x128xf32, #tpu.memory_space<hbm>>) target(%arg13 : memref<80x128xf32, #tpu.memory_space<vmem>>) offsets(%arg11 : memref<80xi32, #tpu.memory_space<vmem>>) semaphore(%arg15 : memref<!tpu.dma_semaphore, #tpu.memory_space<semaphore_mem>>)
      %get3A = arith.constant 0 : index
      %get3A_17 = tpu.vector_load %arg10[%get3A] {strides = array<i32>} : memref<80xi32, #tpu.memory_space<vmem>>, vector<16xi32>,
      %mul3A_18 = arith.constant 4 : i32
      %mul3A_19 = vector.broadcast %mul3A_18 : i32 to vector<16xi32>
      %mul3A_20 = arith.muli %get3A_17, %mul3A_19 : vector<16xi32>
      %get3A_21 = arith.constant 0 : index
      %get3A_22 = tpu.vector_load %arg11[%get3A_21] {strides = array<i32>} : memref<80xi32, #tpu.memory_space<vmem>>, vector<16xi32>,
      %mul3A_23 = arith.constant 4 : i32
      %mul3A_24 = vector.broadcast %mul3A_23 : i32 to vector<16xi32>
      %mul3A_25 = arith.muli %get3A_22, %mul3A_24 : vector<16xi32>
      %iota3A = tpu.iota {dimensions = array<i32: 0>} : vector<16xi32>
      %gather3A = tpu.vector_load_idx %arg9[%mul3A_20] : memref<40000xf32, #tpu.memory_space<vmem>>[vector<16xi32>], vector<16xf32>,
      %add3A_26 = arith.constant 1 : i32
      %add3A_27 = vector.broadcast %add3A_26 : i32 to vector<16xi32>
      %add3A_28 = arith.addi %mul3A_20, %add3A_27 : vector<16xi32>
      %gather3A_29 = tpu.vector_load_idx %arg9[%add3A_28] : memref<40000xf32, #tpu.memory_space<vmem>>[vector<16xi32>], vector<16xf32>,
      %add3A_30 = arith.constant 2 : i32
      %add3A_31 = vector.broadcast %add3A_30 : i32 to vector<16xi32>
      %add3A_32 = arith.addi %mul3A_20, %add3A_31 : vector<16xi32>
      %gather3A_33 = tpu.vector_load_idx %arg9[%add3A_32] : memref<40000xf32, #tpu.memory_space<vmem>>[vector<16xi32>], vector<16xf32>,
      %gather3A_34 = tpu.vector_load_idx %arg9[%mul3A_25] : memref<40000xf32, #tpu.memory_space<vmem>>[vector<16xi32>], vector<16xf32>,
      %add3A_35 = arith.constant 1 : i32
      %add3A_36 = vector.broadcast %add3A_35 : i32 to vector<16xi32>
      %add3A_37 = arith.addi %mul3A_25, %add3A_36 : vector<16xi32>
      %gather3A_38 = tpu.vector_load_idx %arg9[%add3A_37] : memref<40000xf32, #tpu.memory_space<vmem>>[vector<16xi32>], vector<16xf32>,
      %add3A_39 = arith.constant 2 : i32
      %add3A_40 = vector.broadcast %add3A_39 : i32 to vector<16xi32>
      %add3A_41 = arith.addi %mul3A_25, %add3A_40 : vector<16xi32>
      %gather3A_42 = tpu.vector_load_idx %arg9[%add3A_41] : memref<40000xf32, #tpu.memory_space<vmem>>[vector<16xi32>], vector<16xf32>,
      %sub3A = arith.subf %gather3A, %gather3A_34 : vector<16xf32>
      %sub3A_43 = arith.subf %gather3A_29, %gather3A_38 : vector<16xf32>
      %sub3A_44 = arith.subf %gather3A_33, %gather3A_42 : vector<16xf32>
      %mul3A_45 = arith.mulf %sub3A, %sub3A : vector<16xf32>
      %mul3A_46 = arith.mulf %sub3A_43, %sub3A_43 : vector<16xf32>
      %add3A_47 = arith.addf %mul3A_45, %mul3A_46 : vector<16xf32>
      %mul3A_48 = arith.mulf %sub3A_44, %sub3A_44 : vector<16xf32>
      %add3A_49 = arith.addf %add3A_47, %mul3A_48 : vector<16xf32>
      %bitcast3A = vector.bitcast %add3A_49 : vector<16xf32> to vector<16xi32>
      %shift_right_arithmetic3A = arith.constant 1 : i32
      %shift_right_arithmetic3A_50 = vector.broadcast %shift_right_arithmetic3A : i32 to vector<16xi32>
      %shift_right_arithmetic3A_51 = arith.shrsi %bitcast3A, %shift_right_arithmetic3A_50 : vector<16xi32>
      %sub3A_52 = arith.constant 1597463007 : i32
      %sub3A_53 = vector.broadcast %sub3A_52 : i32 to vector<16xi32>
      %sub3A_54 = arith.subi %sub3A_53, %shift_right_arithmetic3A_51 : vector<16xi32>
      %bitcast3A_55 = vector.bitcast %sub3A_54 : vector<16xi32> to vector<16xf32>
      %mul3A_56 = arith.constant 5.000000e-01 : f32
      %mul3A_57 = vector.broadcast %mul3A_56 : f32 to vector<16xf32>
      %mul3A_58 = arith.mulf %mul3A_57, %add3A_49 : vector<16xf32>
      %mul3A_59 = arith.mulf %mul3A_58, %bitcast3A_55 : vector<16xf32>
      %mul3A_60 = arith.mulf %mul3A_59, %bitcast3A_55 : vector<16xf32>
      %sub3A_61 = arith.constant 1.500000e+00 : f32
      %sub3A_62 = vector.broadcast %sub3A_61 : f32 to vector<16xf32>
      %sub3A_63 = arith.subf %sub3A_62, %mul3A_60 : vector<16xf32>
      %mul3A_64 = arith.mulf %bitcast3A_55, %sub3A_63 : vector<16xf32>
      %mul3A_65 = arith.constant 5.000000e-01 : f32
      %mul3A_66 = vector.broadcast %mul3A_65 : f32 to vector<16xf32>
      %mul3A_67 = arith.mulf %mul3A_66, %add3A_49 : vector<16xf32>
      %mul3A_68 = arith.mulf %mul3A_67, %mul3A_64 : vector<16xf32>
      %mul3A_69 = arith.mulf %mul3A_68, %mul3A_64 : vector<16xf32>
      %sub3A_70 = arith.constant 1.500000e+00 : f32
      %sub3A_71 = vector.broadcast %sub3A_70 : f32 to vector<16xf32>
      %sub3A_72 = arith.subf %sub3A_71, %mul3A_69 : vector<16xf32>
      %mul3A_73 = arith.mulf %mul3A_64, %sub3A_72 : vector<16xf32>
      %mul3A_74 = arith.constant 5.000000e-01 : f32
      %mul3A_75 = vector.broadcast %mul3A_74 : f32 to vector<16xf32>
      %mul3A_76 = arith.mulf %mul3A_75, %add3A_49 : vector<16xf32>
      %mul3A_77 = arith.mulf %mul3A_76, %mul3A_73 : vector<16xf32>
      %mul3A_78 = arith.mulf %mul3A_77, %mul3A_73 : vector<16xf32>
      %sub3A_79 = arith.constant 1.500000e+00 : f32
      %sub3A_80 = vector.broadcast %sub3A_79 : f32 to vector<16xf32>
      %sub3A_81 = arith.subf %sub3A_80, %mul3A_78 : vector<16xf32>
      %mul3A_82 = arith.mulf %mul3A_73, %sub3A_81 : vector<16xf32>
      %mul3A_83 = arith.mulf %add3A_49, %mul3A_82 : vector<16xf32>
      %add3A_84 = arith.constant 9.99999993E-9 : f32
      %add3A_85 = vector.broadcast %add3A_84 : f32 to vector<16xf32>
      %add3A_86 = arith.addf %mul3A_83, %add3A_85 : vector<16xf32>
      %div3A = arith.constant 1.000000e+00 : f32
      %div3A_87 = vector.broadcast %div3A : f32 to vector<16xf32>
      %div3A_88 = arith.divf %div3A_87, %add3A_86 : vector<16xf32>
      %mul3A_89 = arith.constant 0.222222224 : f32
      %mul3A_90 = vector.broadcast %mul3A_89 : f32 to vector<16xf32>
      %mul3A_91 = arith.mulf %mul3A_83, %mul3A_90 : vector<16xf32>
      %mul3A_92 = arith.mulf %mul3A_91, %mul3A_91 : vector<16xf32>
      %mul3A_93 = arith.mulf %mul3A_92, %mul3A_92 : vector<16xf32>
      %mul3A_94 = arith.mulf %mul3A_93, %mul3A_91 : vector<16xf32>
      %mul3A_95 = arith.mulf %mul3A_94, %mul3A_91 : vector<16xf32>
      %mul3A_96 = arith.mulf %mul3A_95, %mul3A_91 : vector<16xf32>
      %mul3A_97 = arith.constant 2.100000e+01 : f32
      %mul3A_98 = vector.broadcast %mul3A_97 : f32 to vector<16xf32>
      %mul3A_99 = arith.mulf %mul3A_98, %mul3A_94 : vector<16xf32>
      %sub3A_100 = arith.constant 1.000000e+00 : f32
      %sub3A_101 = vector.broadcast %sub3A_100 : f32 to vector<16xf32>
      %sub3A_102 = arith.subf %sub3A_101, %mul3A_99 : vector<16xf32>
      %mul3A_103 = arith.constant 3.500000e+01 : f32
      %mul3A_104 = vector.broadcast %mul3A_103 : f32 to vector<16xf32>
      %mul3A_105 = arith.mulf %mul3A_104, %mul3A_95 : vector<16xf32>
      %add3A_106 = arith.addf %sub3A_102, %mul3A_105 : vector<16xf32>
      %mul3A_107 = arith.constant 1.500000e+01 : f32
      %mul3A_108 = vector.broadcast %mul3A_107 : f32 to vector<16xf32>
      %mul3A_109 = arith.mulf %mul3A_108, %mul3A_96 : vector<16xf32>
      %sub3A_110 = arith.subf %add3A_106, %mul3A_109 : vector<16xf32>
      %mul3A_111 = arith.mulf %div3A_88, %sub3A_110 : vector<16xf32>
      %add3A_112 = arith.constant 0 : i32
      %add3A_113 = vector.broadcast %add3A_112 : i32 to vector<16xi32>
      %add3A_114 = arith.addi %iota3A, %add3A_113 : vector<16xi32>
      %mul3A_115 = arith.constant 8 : i32
      %mul3A_116 = vector.broadcast %mul3A_115 : i32 to vector<16xi32>
      %mul3A_117 = arith.muli %add3A_114, %mul3A_116 : vector<16xi32>
      tpu.vector_store_idx %arg14[%mul3A_117], %mul3A_83 : memref<640xf32, #tpu.memory_space<vmem>>[vector<16xi32>], vector<16xf32>,
      %add3A_118 = arith.constant 1 : i32
      %add3A_119 = vector.broadcast %add3A_118 : i32 to vector<16xi32>
      %add3A_120 = arith.addi %mul3A_117, %add3A_119 : vector<16xi32>
      %mul3A_121 = arith.mulf %sub3A, %mul3A_111 : vector<16xf32>
      tpu.vector_store_idx %arg14[%add3A_120], %mul3A_121 : memref<640xf32, #tpu.memory_space<vmem>>[vector<16xi32>], vector<16xf32>,
      %add3A_122 = arith.constant 2 : i32
      %add3A_123 = vector.broadcast %add3A_122 : i32 to vector<16xi32>
      %add3A_124 = arith.addi %mul3A_117, %add3A_123 : vector<16xi32>
      %mul3A_125 = arith.mulf %sub3A_43, %mul3A_111 : vector<16xf32>
      tpu.vector_store_idx %arg14[%add3A_124], %mul3A_125 : memref<640xf32, #tpu.memory_space<vmem>>[vector<16xi32>], vector<16xf32>,
      %add3A_126 = arith.constant 3 : i32
      %add3A_127 = vector.broadcast %add3A_126 : i32 to vector<16xi32>
      %add3A_128 = arith.addi %mul3A_117, %add3A_127 : vector<16xi32>
      %mul3A_129 = arith.mulf %sub3A_44, %mul3A_111 : vector<16xf32>
      tpu.vector_store_idx %arg14[%add3A_128], %mul3A_129 : memref<640xf32, #tpu.memory_space<vmem>>[vector<16xi32>], vector<16xf32>,
      %get3A_130 = arith.constant 16 : index
      %get3A_131 = tpu.vector_load %arg10[%get3A_130] {strides = array<i32>} : memref<80xi32, #tpu.memory_space<vmem>>, vector<16xi32>,
      %mul3A_132 = arith.constant 4 : i32
      %mul3A_133 = vector.broadcast %mul3A_132 : i32 to vector<16xi32>
      %mul3A_134 = arith.muli %get3A_131, %mul3A_133 : vector<16xi32>
      %get3A_135 = arith.constant 16 : index
      %get3A_136 = tpu.vector_load %arg11[%get3A_135] {strides = array<i32>} : memref<80xi32, #tpu.memory_space<vmem>>, vector<16xi32>,
      %mul3A_137 = arith.constant 4 : i32
      %mul3A_138 = vector.broadcast %mul3A_137 : i32 to vector<16xi32>
      %mul3A_139 = arith.muli %get3A_136, %mul3A_138 : vector<16xi32>
      %iota3A_140 = tpu.iota {dimensions = array<i32: 0>} : vector<16xi32>
      %gather3A_141 = tpu.vector_load_idx %arg9[%mul3A_134] : memref<40000xf32, #tpu.memory_space<vmem>>[vector<16xi32>], vector<16xf32>,
      %add3A_142 = arith.constant 1 : i32
      %add3A_143 = vector.broadcast %add3A_142 : i32 to vector<16xi32>
      %add3A_144 = arith.addi %mul3A_134, %add3A_143 : vector<16xi32>
      %gather3A_145 = tpu.vector_load_idx %arg9[%add3A_144] : memref<40000xf32, #tpu.memory_space<vmem>>[vector<16xi32>], vector<16xf32>,
      %add3A_146 = arith.constant 2 : i32
      %add3A_147 = vector.broadcast %add3A_146 : i32 to vector<16xi32>
      %add3A_148 = arith.addi %mul3A_134, %add3A_147 : vector<16xi32>
      %gather3A_149 = tpu.vector_load_idx %arg9[%add3A_148] : memref<40000xf32, #tpu.memory_space<vmem>>[vector<16xi32>], vector<16xf32>,
      %gather3A_150 = tpu.vector_load_idx %arg9[%mul3A_139] : memref<40000xf32, #tpu.memory_space<vmem>>[vector<16xi32>], vector<16xf32>,
      %add3A_151 = arith.constant 1 : i32
      %add3A_152 = vector.broadcast %add3A_151 : i32 to vector<16xi32>
      %add3A_153 = arith.addi %mul3A_139, %add3A_152 : vector<16xi32>
      %gather3A_154 = tpu.vector_load_idx %arg9[%add3A_153] : memref<40000xf32, #tpu.memory_space<vmem>>[vector<16xi32>], vector<16xf32>,
      %add3A_155 = arith.constant 2 : i32
      %add3A_156 = vector.broadcast %add3A_155 : i32 to vector<16xi32>
      %add3A_157 = arith.addi %mul3A_139, %add3A_156 : vector<16xi32>
      %gather3A_158 = tpu.vector_load_idx %arg9[%add3A_157] : memref<40000xf32, #tpu.memory_space<vmem>>[vector<16xi32>], vector<16xf32>,
      %sub3A_159 = arith.subf %gather3A_141, %gather3A_150 : vector<16xf32>
      %sub3A_160 = arith.subf %gather3A_145, %gather3A_154 : vector<16xf32>
      %sub3A_161 = arith.subf %gather3A_149, %gather3A_158 : vector<16xf32>
      %mul3A_162 = arith.mulf %sub3A_159, %sub3A_159 : vector<16xf32>
      %mul3A_163 = arith.mulf %sub3A_160, %sub3A_160 : vector<16xf32>
      %add3A_164 = arith.addf %mul3A_162, %mul3A_163 : vector<16xf32>
      %mul3A_165 = arith.mulf %sub3A_161, %sub3A_161 : vector<16xf32>
      %add3A_166 = arith.addf %add3A_164, %mul3A_165 : vector<16xf32>
      %bitcast3A_167 = vector.bitcast %add3A_166 : vector<16xf32> to vector<16xi32>
      %shift_right_arithmetic3A_168 = arith.constant 1 : i32
      %shift_right_arithmetic3A_169 = vector.broadcast %shift_right_arithmetic3A_168 : i32 to vector<16xi32>
      %shift_right_arithmetic3A_170 = arith.shrsi %bitcast3A_167, %shift_right_arithmetic3A_169 : vector<16xi32>
      %sub3A_171 = arith.constant 1597463007 : i32
      %sub3A_172 = vector.broadcast %sub3A_171 : i32 to vector<16xi32>
      %sub3A_173 = arith.subi %sub3A_172, %shift_right_arithmetic3A_170 : vector<16xi32>
      %bitcast3A_174 = vector.bitcast %sub3A_173 : vector<16xi32> to vector<16xf32>
      %mul3A_175 = arith.constant 5.000000e-01 : f32
      %mul3A_176 = vector.broadcast %mul3A_175 : f32 to vector<16xf32>
      %mul3A_177 = arith.mulf %mul3A_176, %add3A_166 : vector<16xf32>
      %mul3A_178 = arith.mulf %mul3A_177, %bitcast3A_174 : vector<16xf32>
      %mul3A_179 = arith.mulf %mul3A_178, %bitcast3A_174 : vector<16xf32>
      %sub3A_180 = arith.constant 1.500000e+00 : f32
      %sub3A_181 = vector.broadcast %sub3A_180 : f32 to vector<16xf32>
      %sub3A_182 = arith.subf %sub3A_181, %mul3A_179 : vector<16xf32>
      %mul3A_183 = arith.mulf %bitcast3A_174, %sub3A_182 : vector<16xf32>
      %mul3A_184 = arith.constant 5.000000e-01 : f32
      %mul3A_185 = vector.broadcast %mul3A_184 : f32 to vector<16xf32>
      %mul3A_186 = arith.mulf %mul3A_185, %add3A_166 : vector<16xf32>
      %mul3A_187 = arith.mulf %mul3A_186, %mul3A_183 : vector<16xf32>
      %mul3A_188 = arith.mulf %mul3A_187, %mul3A_183 : vector<16xf32>
      %sub3A_189 = arith.constant 1.500000e+00 : f32
      %sub3A_190 = vector.broadcast %sub3A_189 : f32 to vector<16xf32>
      %sub3A_191 = arith.subf %sub3A_190, %mul3A_188 : vector<16xf32>
      %mul3A_192 = arith.mulf %mul3A_183, %sub3A_191 : vector<16xf32>
      %mul3A_193 = arith.constant 5.000000e-01 : f32
      %mul3A_194 = vector.broadcast %mul3A_193 : f32 to vector<16xf32>
      %mul3A_195 = arith.mulf %mul3A_194, %add3A_166 : vector<16xf32>
      %mul3A_196 = arith.mulf %mul3A_195, %mul3A_192 : vector<16xf32>
      %mul3A_197 = arith.mulf %mul3A_196, %mul3A_192 : vector<16xf32>
      %sub3A_198 = arith.constant 1.500000e+00 : f32
      %sub3A_199 = vector.broadcast %sub3A_198 : f32 to vector<16xf32>
      %sub3A_200 = arith.subf %sub3A_199, %mul3A_197 : vector<16xf32>
      %mul3A_201 = arith.mulf %mul3A_192, %sub3A_200 : vector<16xf32>
      %mul3A_202 = arith.mulf %add3A_166, %mul3A_201 : vector<16xf32>
      %add3A_203 = arith.constant 9.99999993E-9 : f32
      %add3A_204 = vector.broadcast %add3A_203 : f32 to vector<16xf32>
      %add3A_205 = arith.addf %mul3A_202, %add3A_204 : vector<16xf32>
      %div3A_206 = arith.constant 1.000000e+00 : f32
      %div3A_207 = vector.broadcast %div3A_206 : f32 to vector<16xf32>
      %div3A_208 = arith.divf %div3A_207, %add3A_205 : vector<16xf32>
      %mul3A_209 = arith.constant 0.222222224 : f32
      %mul3A_210 = vector.broadcast %mul3A_209 : f32 to vector<16xf32>
      %mul3A_211 = arith.mulf %mul3A_202, %mul3A_210 : vector<16xf32>
      %mul3A_212 = arith.mulf %mul3A_211, %mul3A_211 : vector<16xf32>
      %mul3A_213 = arith.mulf %mul3A_212, %mul3A_212 : vector<16xf32>
      %mul3A_214 = arith.mulf %mul3A_213, %mul3A_211 : vector<16xf32>
      %mul3A_215 = arith.mulf %mul3A_214, %mul3A_211 : vector<16xf32>
      %mul3A_216 = arith.mulf %mul3A_215, %mul3A_211 : vector<16xf32>
      %mul3A_217 = arith.constant 2.100000e+01 : f32
      %mul3A_218 = vector.broadcast %mul3A_217 : f32 to vector<16xf32>
      %mul3A_219 = arith.mulf %mul3A_218, %mul3A_214 : vector<16xf32>
      %sub3A_220 = arith.constant 1.000000e+00 : f32
      %sub3A_221 = vector.broadcast %sub3A_220 : f32 to vector<16xf32>
      %sub3A_222 = arith.subf %sub3A_221, %mul3A_219 : vector<16xf32>
      %mul3A_223 = arith.constant 3.500000e+01 : f32
      %mul3A_224 = vector.broadcast %mul3A_223 : f32 to vector<16xf32>
      %mul3A_225 = arith.mulf %mul3A_224, %mul3A_215 : vector<16xf32>
      %add3A_226 = arith.addf %sub3A_222, %mul3A_225 : vector<16xf32>
      %mul3A_227 = arith.constant 1.500000e+01 : f32
      %mul3A_228 = vector.broadcast %mul3A_227 : f32 to vector<16xf32>
      %mul3A_229 = arith.mulf %mul3A_228, %mul3A_216 : vector<16xf32>
      %sub3A_230 = arith.subf %add3A_226, %mul3A_229 : vector<16xf32>
      %mul3A_231 = arith.mulf %div3A_208, %sub3A_230 : vector<16xf32>
      %add3A_232 = arith.constant 16 : i32
      %add3A_233 = vector.broadcast %add3A_232 : i32 to vector<16xi32>
      %add3A_234 = arith.addi %iota3A_140, %add3A_233 : vector<16xi32>
      %mul3A_235 = arith.constant 8 : i32
      %mul3A_236 = vector.broadcast %mul3A_235 : i32 to vector<16xi32>
      %mul3A_237 = arith.muli %add3A_234, %mul3A_236 : vector<16xi32>
      tpu.vector_store_idx %arg14[%mul3A_237], %mul3A_202 : memref<640xf32, #tpu.memory_space<vmem>>[vector<16xi32>], vector<16xf32>,
      %add3A_238 = arith.constant 1 : i32
      %add3A_239 = vector.broadcast %add3A_238 : i32 to vector<16xi32>
      %add3A_240 = arith.addi %mul3A_237, %add3A_239 : vector<16xi32>
      %mul3A_241 = arith.mulf %sub3A_159, %mul3A_231 : vector<16xf32>
      tpu.vector_store_idx %arg14[%add3A_240], %mul3A_241 : memref<640xf32, #tpu.memory_space<vmem>>[vector<16xi32>], vector<16xf32>,
      %add3A_242 = arith.constant 2 : i32
      %add3A_243 = vector.broadcast %add3A_242 : i32 to vector<16xi32>
      %add3A_244 = arith.addi %mul3A_237, %add3A_243 : vector<16xi32>
      %mul3A_245 = arith.mulf %sub3A_160, %mul3A_231 : vector<16xf32>
      tpu.vector_store_idx %arg14[%add3A_244], %mul3A_245 : memref<640xf32, #tpu.memory_space<vmem>>[vector<16xi32>], vector<16xf32>,
      %add3A_246 = arith.constant 3 : i32
      %add3A_247 = vector.broadcast %add3A_246 : i32 to vector<16xi32>
      %add3A_248 = arith.addi %mul3A_237, %add3A_247 : vector<16xi32>
      %mul3A_249 = arith.mulf %sub3A_161, %mul3A_231 : vector<16xf32>
      tpu.vector_store_idx %arg14[%add3A_248], %mul3A_249 : memref<640xf32, #tpu.memory_space<vmem>>[vector<16xi32>], vector<16xf32>,
      %get3A_250 = arith.constant 32 : index
      %get3A_251 = tpu.vector_load %arg10[%get3A_250] {strides = array<i32>} : memref<80xi32, #tpu.memory_space<vmem>>, vector<16xi32>,
      %mul3A_252 = arith.constant 4 : i32
      %mul3A_253 = vector.broadcast %mul3A_252 : i32 to vector<16xi32>
      %mul3A_254 = arith.muli %get3A_251, %mul3A_253 : vector<16xi32>
      %get3A_255 = arith.constant 32 : index
      %get3A_256 = tpu.vector_load %arg11[%get3A_255] {strides = array<i32>} : memref<80xi32, #tpu.memory_space<vmem>>, vector<16xi32>,
      %mul3A_257 = arith.constant 4 : i32
      %mul3A_258 = vector.broadcast %mul3A_257 : i32 to vector<16xi32>
      %mul3A_259 = arith.muli %get3A_256, %mul3A_258 : vector<16xi32>
      %iota3A_260 = tpu.iota {dimensions = array<i32: 0>} : vector<16xi32>
      %gather3A_261 = tpu.vector_load_idx %arg9[%mul3A_254] : memref<40000xf32, #tpu.memory_space<vmem>>[vector<16xi32>], vector<16xf32>,
      %add3A_262 = arith.constant 1 : i32
      %add3A_263 = vector.broadcast %add3A_262 : i32 to vector<16xi32>
      %add3A_264 = arith.addi %mul3A_254, %add3A_263 : vector<16xi32>
      %gather3A_265 = tpu.vector_load_idx %arg9[%add3A_264] : memref<40000xf32, #tpu.memory_space<vmem>>[vector<16xi32>], vector<16xf32>,
      %add3A_266 = arith.constant 2 : i32
      %add3A_267 = vector.broadcast %add3A_266 : i32 to vector<16xi32>
      %add3A_268 = arith.addi %mul3A_254, %add3A_267 : vector<16xi32>
      %gather3A_269 = tpu.vector_load_idx %arg9[%add3A_268] : memref<40000xf32, #tpu.memory_space<vmem>>[vector<16xi32>], vector<16xf32>,
      %gather3A_270 = tpu.vector_load_idx %arg9[%mul3A_259] : memref<40000xf32, #tpu.memory_space<vmem>>[vector<16xi32>], vector<16xf32>,
      %add3A_271 = arith.constant 1 : i32
      %add3A_272 = vector.broadcast %add3A_271 : i32 to vector<16xi32>
      %add3A_273 = arith.addi %mul3A_259, %add3A_272 : vector<16xi32>
      %gather3A_274 = tpu.vector_load_idx %arg9[%add3A_273] : memref<40000xf32, #tpu.memory_space<vmem>>[vector<16xi32>], vector<16xf32>,
      %add3A_275 = arith.constant 2 : i32
      %add3A_276 = vector.broadcast %add3A_275 : i32 to vector<16xi32>
      %add3A_277 = arith.addi %mul3A_259, %add3A_276 : vector<16xi32>
      %gather3A_278 = tpu.vector_load_idx %arg9[%add3A_277] : memref<40000xf32, #tpu.memory_space<vmem>>[vector<16xi32>], vector<16xf32>,
      %sub3A_279 = arith.subf %gather3A_261, %gather3A_270 : vector<16xf32>
      %sub3A_280 = arith.subf %gather3A_265, %gather3A_274 : vector<16xf32>
      %sub3A_281 = arith.subf %gather3A_269, %gather3A_278 : vector<16xf32>
      %mul3A_282 = arith.mulf %sub3A_279, %sub3A_279 : vector<16xf32>
      %mul3A_283 = arith.mulf %sub3A_280, %sub3A_280 : vector<16xf32>
      %add3A_284 = arith.addf %mul3A_282, %mul3A_283 : vector<16xf32>
      %mul3A_285 = arith.mulf %sub3A_281, %sub3A_281 : vector<16xf32>
      %add3A_286 = arith.addf %add3A_284, %mul3A_285 : vector<16xf32>
      %bitcast3A_287 = vector.bitcast %add3A_286 : vector<16xf32> to vector<16xi32>
      %shift_right_arithmetic3A_288 = arith.constant 1 : i32
      %shift_right_arithmetic3A_289 = vector.broadcast %shift_right_arithmetic3A_288 : i32 to vector<16xi32>
      %shift_right_arithmetic3A_290 = arith.shrsi %bitcast3A_287, %shift_right_arithmetic3A_289 : vector<16xi32>
      %sub3A_291 = arith.constant 1597463007 : i32
      %sub3A_292 = vector.broadcast %sub3A_291 : i32 to vector<16xi32>
      %sub3A_293 = arith.subi %sub3A_292, %shift_right_arithmetic3A_290 : vector<16xi32>
      %bitcast3A_294 = vector.bitcast %sub3A_293 : vector<16xi32> to vector<16xf32>
      %mul3A_295 = arith.constant 5.000000e-01 : f32
      %mul3A_296 = vector.broadcast %mul3A_295 : f32 to vector<16xf32>
      %mul3A_297 = arith.mulf %mul3A_296, %add3A_286 : vector<16xf32>
      %mul3A_298 = arith.mulf %mul3A_297, %bitcast3A_294 : vector<16xf32>
      %mul3A_299 = arith.mulf %mul3A_298, %bitcast3A_294 : vector<16xf32>
      %sub3A_300 = arith.constant 1.500000e+00 : f32
      %sub3A_301 = vector.broadcast %sub3A_300 : f32 to vector<16xf32>
      %sub3A_302 = arith.subf %sub3A_301, %mul3A_299 : vector<16xf32>
      %mul3A_303 = arith.mulf %bitcast3A_294, %sub3A_302 : vector<16xf32>
      %mul3A_304 = arith.constant 5.000000e-01 : f32
      %mul3A_305 = vector.broadcast %mul3A_304 : f32 to vector<16xf32>
      %mul3A_306 = arith.mulf %mul3A_305, %add3A_286 : vector<16xf32>
      %mul3A_307 = arith.mulf %mul3A_306, %mul3A_303 : vector<16xf32>
      %mul3A_308 = arith.mulf %mul3A_307, %mul3A_303 : vector<16xf32>
      %sub3A_309 = arith.constant 1.500000e+00 : f32
      %sub3A_310 = vector.broadcast %sub3A_309 : f32 to vector<16xf32>
      %sub3A_311 = arith.subf %sub3A_310, %mul3A_308 : vector<16xf32>
      %mul3A_312 = arith.mulf %mul3A_303, %sub3A_311 : vector<16xf32>
      %mul3A_313 = arith.constant 5.000000e-01 : f32
      %mul3A_314 = vector.broadcast %mul3A_313 : f32 to vector<16xf32>
      %mul3A_315 = arith.mulf %mul3A_314, %add3A_286 : vector<16xf32>
      %mul3A_316 = arith.mulf %mul3A_315, %mul3A_312 : vector<16xf32>
      %mul3A_317 = arith.mulf %mul3A_316, %mul3A_312 : vector<16xf32>
      %sub3A_318 = arith.constant 1.500000e+00 : f32
      %sub3A_319 = vector.broadcast %sub3A_318 : f32 to vector<16xf32>
      %sub3A_320 = arith.subf %sub3A_319, %mul3A_317 : vector<16xf32>
      %mul3A_321 = arith.mulf %mul3A_312, %sub3A_320 : vector<16xf32>
      %mul3A_322 = arith.mulf %add3A_286, %mul3A_321 : vector<16xf32>
      %add3A_323 = arith.constant 9.99999993E-9 : f32
      %add3A_324 = vector.broadcast %add3A_323 : f32 to vector<16xf32>
      %add3A_325 = arith.addf %mul3A_322, %add3A_324 : vector<16xf32>
      %div3A_326 = arith.constant 1.000000e+00 : f32
      %div3A_327 = vector.broadcast %div3A_326 : f32 to vector<16xf32>
      %div3A_328 = arith.divf %div3A_327, %add3A_325 : vector<16xf32>
      %mul3A_329 = arith.constant 0.222222224 : f32
      %mul3A_330 = vector.broadcast %mul3A_329 : f32 to vector<16xf32>
      %mul3A_331 = arith.mulf %mul3A_322, %mul3A_330 : vector<16xf32>
      %mul3A_332 = arith.mulf %mul3A_331, %mul3A_331 : vector<16xf32>
      %mul3A_333 = arith.mulf %mul3A_332, %mul3A_332 : vector<16xf32>
      %mul3A_334 = arith.mulf %mul3A_333, %mul3A_331 : vector<16xf32>
      %mul3A_335 = arith.mulf %mul3A_334, %mul3A_331 : vector<16xf32>
      %mul3A_336 = arith.mulf %mul3A_335, %mul3A_331 : vector<16xf32>
      %mul3A_337 = arith.constant 2.100000e+01 : f32
      %mul3A_338 = vector.broadcast %mul3A_337 : f32 to vector<16xf32>
      %mul3A_339 = arith.mulf %mul3A_338, %mul3A_334 : vector<16xf32>
      %sub3A_340 = arith.constant 1.000000e+00 : f32
      %sub3A_341 = vector.broadcast %sub3A_340 : f32 to vector<16xf32>
      %sub3A_342 = arith.subf %sub3A_341, %mul3A_339 : vector<16xf32>
      %mul3A_343 = arith.constant 3.500000e+01 : f32
      %mul3A_344 = vector.broadcast %mul3A_343 : f32 to vector<16xf32>
      %mul3A_345 = arith.mulf %mul3A_344, %mul3A_335 : vector<16xf32>
      %add3A_346 = arith.addf %sub3A_342, %mul3A_345 : vector<16xf32>
      %mul3A_347 = arith.constant 1.500000e+01 : f32
      %mul3A_348 = vector.broadcast %mul3A_347 : f32 to vector<16xf32>
      %mul3A_349 = arith.mulf %mul3A_348, %mul3A_336 : vector<16xf32>
      %sub3A_350 = arith.subf %add3A_346, %mul3A_349 : vector<16xf32>
      %mul3A_351 = arith.mulf %div3A_328, %sub3A_350 : vector<16xf32>
      %add3A_352 = arith.constant 32 : i32
      %add3A_353 = vector.broadcast %add3A_352 : i32 to vector<16xi32>
      %add3A_354 = arith.addi %iota3A_260, %add3A_353 : vector<16xi32>
      %mul3A_355 = arith.constant 8 : i32
      %mul3A_356 = vector.broadcast %mul3A_355 : i32 to vector<16xi32>
      %mul3A_357 = arith.muli %add3A_354, %mul3A_356 : vector<16xi32>
      tpu.vector_store_idx %arg14[%mul3A_357], %mul3A_322 : memref<640xf32, #tpu.memory_space<vmem>>[vector<16xi32>], vector<16xf32>,
      %add3A_358 = arith.constant 1 : i32
      %add3A_359 = vector.broadcast %add3A_358 : i32 to vector<16xi32>
      %add3A_360 = arith.addi %mul3A_357, %add3A_359 : vector<16xi32>
      %mul3A_361 = arith.mulf %sub3A_279, %mul3A_351 : vector<16xf32>
      tpu.vector_store_idx %arg14[%add3A_360], %mul3A_361 : memref<640xf32, #tpu.memory_space<vmem>>[vector<16xi32>], vector<16xf32>,
      %add3A_362 = arith.constant 2 : i32
      %add3A_363 = vector.broadcast %add3A_362 : i32 to vector<16xi32>
      %add3A_364 = arith.addi %mul3A_357, %add3A_363 : vector<16xi32>
      %mul3A_365 = arith.mulf %sub3A_280, %mul3A_351 : vector<16xf32>
      tpu.vector_store_idx %arg14[%add3A_364], %mul3A_365 : memref<640xf32, #tpu.memory_space<vmem>>[vector<16xi32>], vector<16xf32>,
      %add3A_366 = arith.constant 3 : i32
      %add3A_367 = vector.broadcast %add3A_366 : i32 to vector<16xi32>
      %add3A_368 = arith.addi %mul3A_357, %add3A_367 : vector<16xi32>
      %mul3A_369 = arith.mulf %sub3A_281, %mul3A_351 : vector<16xf32>
      tpu.vector_store_idx %arg14[%add3A_368], %mul3A_369 : memref<640xf32, #tpu.memory_space<vmem>>[vector<16xi32>], vector<16xf32>,
      %get3A_370 = arith.constant 48 : index
      %get3A_371 = tpu.vector_load %arg10[%get3A_370] {strides = array<i32>} : memref<80xi32, #tpu.memory_space<vmem>>, vector<16xi32>,
      %mul3A_372 = arith.constant 4 : i32
      %mul3A_373 = vector.broadcast %mul3A_372 : i32 to vector<16xi32>
      %mul3A_374 = arith.muli %get3A_371, %mul3A_373 : vector<16xi32>
      %get3A_375 = arith.constant 48 : index
      %get3A_376 = tpu.vector_load %arg11[%get3A_375] {strides = array<i32>} : memref<80xi32, #tpu.memory_space<vmem>>, vector<16xi32>,
      %mul3A_377 = arith.constant 4 : i32
      %mul3A_378 = vector.broadcast %mul3A_377 : i32 to vector<16xi32>
      %mul3A_379 = arith.muli %get3A_376, %mul3A_378 : vector<16xi32>
      %iota3A_380 = tpu.iota {dimensions = array<i32: 0>} : vector<16xi32>
      %gather3A_381 = tpu.vector_load_idx %arg9[%mul3A_374] : memref<40000xf32, #tpu.memory_space<vmem>>[vector<16xi32>], vector<16xf32>,
      %add3A_382 = arith.constant 1 : i32
      %add3A_383 = vector.broadcast %add3A_382 : i32 to vector<16xi32>
      %add3A_384 = arith.addi %mul3A_374, %add3A_383 : vector<16xi32>
      %gather3A_385 = tpu.vector_load_idx %arg9[%add3A_384] : memref<40000xf32, #tpu.memory_space<vmem>>[vector<16xi32>], vector<16xf32>,
      %add3A_386 = arith.constant 2 : i32
      %add3A_387 = vector.broadcast %add3A_386 : i32 to vector<16xi32>
      %add3A_388 = arith.addi %mul3A_374, %add3A_387 : vector<16xi32>
      %gather3A_389 = tpu.vector_load_idx %arg9[%add3A_388] : memref<40000xf32, #tpu.memory_space<vmem>>[vector<16xi32>], vector<16xf32>,
      %gather3A_390 = tpu.vector_load_idx %arg9[%mul3A_379] : memref<40000xf32, #tpu.memory_space<vmem>>[vector<16xi32>], vector<16xf32>,
      %add3A_391 = arith.constant 1 : i32
      %add3A_392 = vector.broadcast %add3A_391 : i32 to vector<16xi32>
      %add3A_393 = arith.addi %mul3A_379, %add3A_392 : vector<16xi32>
      %gather3A_394 = tpu.vector_load_idx %arg9[%add3A_393] : memref<40000xf32, #tpu.memory_space<vmem>>[vector<16xi32>], vector<16xf32>,
      %add3A_395 = arith.constant 2 : i32
      %add3A_396 = vector.broadcast %add3A_395 : i32 to vector<16xi32>
      %add3A_397 = arith.addi %mul3A_379, %add3A_396 : vector<16xi32>
      %gather3A_398 = tpu.vector_load_idx %arg9[%add3A_397] : memref<40000xf32, #tpu.memory_space<vmem>>[vector<16xi32>], vector<16xf32>,
      %sub3A_399 = arith.subf %gather3A_381, %gather3A_390 : vector<16xf32>
      %sub3A_400 = arith.subf %gather3A_385, %gather3A_394 : vector<16xf32>
      %sub3A_401 = arith.subf %gather3A_389, %gather3A_398 : vector<16xf32>
      %mul3A_402 = arith.mulf %sub3A_399, %sub3A_399 : vector<16xf32>
      %mul3A_403 = arith.mulf %sub3A_400, %sub3A_400 : vector<16xf32>
      %add3A_404 = arith.addf %mul3A_402, %mul3A_403 : vector<16xf32>
      %mul3A_405 = arith.mulf %sub3A_401, %sub3A_401 : vector<16xf32>
      %add3A_406 = arith.addf %add3A_404, %mul3A_405 : vector<16xf32>
      %bitcast3A_407 = vector.bitcast %add3A_406 : vector<16xf32> to vector<16xi32>
      %shift_right_arithmetic3A_408 = arith.constant 1 : i32
      %shift_right_arithmetic3A_409 = vector.broadcast %shift_right_arithmetic3A_408 : i32 to vector<16xi32>
      %shift_right_arithmetic3A_410 = arith.shrsi %bitcast3A_407, %shift_right_arithmetic3A_409 : vector<16xi32>
      %sub3A_411 = arith.constant 1597463007 : i32
      %sub3A_412 = vector.broadcast %sub3A_411 : i32 to vector<16xi32>
      %sub3A_413 = arith.subi %sub3A_412, %shift_right_arithmetic3A_410 : vector<16xi32>
      %bitcast3A_414 = vector.bitcast %sub3A_413 : vector<16xi32> to vector<16xf32>
      %mul3A_415 = arith.constant 5.000000e-01 : f32
      %mul3A_416 = vector.broadcast %mul3A_415 : f32 to vector<16xf32>
      %mul3A_417 = arith.mulf %mul3A_416, %add3A_406 : vector<16xf32>
      %mul3A_418 = arith.mulf %mul3A_417, %bitcast3A_414 : vector<16xf32>
      %mul3A_419 = arith.mulf %mul3A_418, %bitcast3A_414 : vector<16xf32>
      %sub3A_420 = arith.constant 1.500000e+00 : f32
      %sub3A_421 = vector.broadcast %sub3A_420 : f32 to vector<16xf32>
      %sub3A_422 = arith.subf %sub3A_421, %mul3A_419 : vector<16xf32>
      %mul3A_423 = arith.mulf %bitcast3A_414, %sub3A_422 : vector<16xf32>
      %mul3A_424 = arith.constant 5.000000e-01 : f32
      %mul3A_425 = vector.broadcast %mul3A_424 : f32 to vector<16xf32>
      %mul3A_426 = arith.mulf %mul3A_425, %add3A_406 : vector<16xf32>
      %mul3A_427 = arith.mulf %mul3A_426, %mul3A_423 : vector<16xf32>
      %mul3A_428 = arith.mulf %mul3A_427, %mul3A_423 : vector<16xf32>
      %sub3A_429 = arith.constant 1.500000e+00 : f32
      %sub3A_430 = vector.broadcast %sub3A_429 : f32 to vector<16xf32>
      %sub3A_431 = arith.subf %sub3A_430, %mul3A_428 : vector<16xf32>
      %mul3A_432 = arith.mulf %mul3A_423, %sub3A_431 : vector<16xf32>
      %mul3A_433 = arith.constant 5.000000e-01 : f32
      %mul3A_434 = vector.broadcast %mul3A_433 : f32 to vector<16xf32>
      %mul3A_435 = arith.mulf %mul3A_434, %add3A_406 : vector<16xf32>
      %mul3A_436 = arith.mulf %mul3A_435, %mul3A_432 : vector<16xf32>
      %mul3A_437 = arith.mulf %mul3A_436, %mul3A_432 : vector<16xf32>
      %sub3A_438 = arith.constant 1.500000e+00 : f32
      %sub3A_439 = vector.broadcast %sub3A_438 : f32 to vector<16xf32>
      %sub3A_440 = arith.subf %sub3A_439, %mul3A_437 : vector<16xf32>
      %mul3A_441 = arith.mulf %mul3A_432, %sub3A_440 : vector<16xf32>
      %mul3A_442 = arith.mulf %add3A_406, %mul3A_441 : vector<16xf32>
      %add3A_443 = arith.constant 9.99999993E-9 : f32
      %add3A_444 = vector.broadcast %add3A_443 : f32 to vector<16xf32>
      %add3A_445 = arith.addf %mul3A_442, %add3A_444 : vector<16xf32>
      %div3A_446 = arith.constant 1.000000e+00 : f32
      %div3A_447 = vector.broadcast %div3A_446 : f32 to vector<16xf32>
      %div3A_448 = arith.divf %div3A_447, %add3A_445 : vector<16xf32>
      %mul3A_449 = arith.constant 0.222222224 : f32
      %mul3A_450 = vector.broadcast %mul3A_449 : f32 to vector<16xf32>
      %mul3A_451 = arith.mulf %mul3A_442, %mul3A_450 : vector<16xf32>
      %mul3A_452 = arith.mulf %mul3A_451, %mul3A_451 : vector<16xf32>
      %mul3A_453 = arith.mulf %mul3A_452, %mul3A_452 : vector<16xf32>
      %mul3A_454 = arith.mulf %mul3A_453, %mul3A_451 : vector<16xf32>
      %mul3A_455 = arith.mulf %mul3A_454, %mul3A_451 : vector<16xf32>
      %mul3A_456 = arith.mulf %mul3A_455, %mul3A_451 : vector<16xf32>
      %mul3A_457 = arith.constant 2.100000e+01 : f32
      %mul3A_458 = vector.broadcast %mul3A_457 : f32 to vector<16xf32>
      %mul3A_459 = arith.mulf %mul3A_458, %mul3A_454 : vector<16xf32>
      %sub3A_460 = arith.constant 1.000000e+00 : f32
      %sub3A_461 = vector.broadcast %sub3A_460 : f32 to vector<16xf32>
      %sub3A_462 = arith.subf %sub3A_461, %mul3A_459 : vector<16xf32>
      %mul3A_463 = arith.constant 3.500000e+01 : f32
      %mul3A_464 = vector.broadcast %mul3A_463 : f32 to vector<16xf32>
      %mul3A_465 = arith.mulf %mul3A_464, %mul3A_455 : vector<16xf32>
      %add3A_466 = arith.addf %sub3A_462, %mul3A_465 : vector<16xf32>
      %mul3A_467 = arith.constant 1.500000e+01 : f32
      %mul3A_468 = vector.broadcast %mul3A_467 : f32 to vector<16xf32>
      %mul3A_469 = arith.mulf %mul3A_468, %mul3A_456 : vector<16xf32>
      %sub3A_470 = arith.subf %add3A_466, %mul3A_469 : vector<16xf32>
      %mul3A_471 = arith.mulf %div3A_448, %sub3A_470 : vector<16xf32>
      %add3A_472 = arith.constant 48 : i32
      %add3A_473 = vector.broadcast %add3A_472 : i32 to vector<16xi32>
      %add3A_474 = arith.addi %iota3A_380, %add3A_473 : vector<16xi32>
      %mul3A_475 = arith.constant 8 : i32
      %mul3A_476 = vector.broadcast %mul3A_475 : i32 to vector<16xi32>
      %mul3A_477 = arith.muli %add3A_474, %mul3A_476 : vector<16xi32>
      tpu.vector_store_idx %arg14[%mul3A_477], %mul3A_442 : memref<640xf32, #tpu.memory_space<vmem>>[vector<16xi32>], vector<16xf32>,
      %add3A_478 = arith.constant 1 : i32
      %add3A_479 = vector.broadcast %add3A_478 : i32 to vector<16xi32>
      %add3A_480 = arith.addi %mul3A_477, %add3A_479 : vector<16xi32>
      %mul3A_481 = arith.mulf %sub3A_399, %mul3A_471 : vector<16xf32>
      tpu.vector_store_idx %arg14[%add3A_480], %mul3A_481 : memref<640xf32, #tpu.memory_space<vmem>>[vector<16xi32>], vector<16xf32>,
      %add3A_482 = arith.constant 2 : i32
      %add3A_483 = vector.broadcast %add3A_482 : i32 to vector<16xi32>
      %add3A_484 = arith.addi %mul3A_477, %add3A_483 : vector<16xi32>
      %mul3A_485 = arith.mulf %sub3A_400, %mul3A_471 : vector<16xf32>
      tpu.vector_store_idx %arg14[%add3A_484], %mul3A_485 : memref<640xf32, #tpu.memory_space<vmem>>[vector<16xi32>], vector<16xf32>,
      %add3A_486 = arith.constant 3 : i32
      %add3A_487 = vector.broadcast %add3A_486 : i32 to vector<16xi32>
      %add3A_488 = arith.addi %mul3A_477, %add3A_487 : vector<16xi32>
      %mul3A_489 = arith.mulf %sub3A_401, %mul3A_471 : vector<16xf32>
      tpu.vector_store_idx %arg14[%add3A_488], %mul3A_489 : memref<640xf32, #tpu.memory_space<vmem>>[vector<16xi32>], vector<16xf32>,
      %get3A_490 = arith.constant 64 : index
      %get3A_491 = tpu.vector_load %arg10[%get3A_490] {strides = array<i32>} : memref<80xi32, #tpu.memory_space<vmem>>, vector<16xi32>,
      %mul3A_492 = arith.constant 4 : i32
      %mul3A_493 = vector.broadcast %mul3A_492 : i32 to vector<16xi32>
      %mul3A_494 = arith.muli %get3A_491, %mul3A_493 : vector<16xi32>
      %get3A_495 = arith.constant 64 : index
      %get3A_496 = tpu.vector_load %arg11[%get3A_495] {strides = array<i32>} : memref<80xi32, #tpu.memory_space<vmem>>, vector<16xi32>,
      %mul3A_497 = arith.constant 4 : i32
      %mul3A_498 = vector.broadcast %mul3A_497 : i32 to vector<16xi32>
      %mul3A_499 = arith.muli %get3A_496, %mul3A_498 : vector<16xi32>
      %iota3A_500 = tpu.iota {dimensions = array<i32: 0>} : vector<16xi32>
      %gather3A_501 = tpu.vector_load_idx %arg9[%mul3A_494] : memref<40000xf32, #tpu.memory_space<vmem>>[vector<16xi32>], vector<16xf32>,
      %add3A_502 = arith.constant 1 : i32
      %add3A_503 = vector.broadcast %add3A_502 : i32 to vector<16xi32>
      %add3A_504 = arith.addi %mul3A_494, %add3A_503 : vector<16xi32>
      %gather3A_505 = tpu.vector_load_idx %arg9[%add3A_504] : memref<40000xf32, #tpu.memory_space<vmem>>[vector<16xi32>], vector<16xf32>,
      %add3A_506 = arith.constant 2 : i32
      %add3A_507 = vector.broadcast %add3A_506 : i32 to vector<16xi32>
      %add3A_508 = arith.addi %mul3A_494, %add3A_507 : vector<16xi32>
      %gather3A_509 = tpu.vector_load_idx %arg9[%add3A_508] : memref<40000xf32, #tpu.memory_space<vmem>>[vector<16xi32>], vector<16xf32>,
      %gather3A_510 = tpu.vector_load_idx %arg9[%mul3A_499] : memref<40000xf32, #tpu.memory_space<vmem>>[vector<16xi32>], vector<16xf32>,
      %add3A_511 = arith.constant 1 : i32
      %add3A_512 = vector.broadcast %add3A_511 : i32 to vector<16xi32>
      %add3A_513 = arith.addi %mul3A_499, %add3A_512 : vector<16xi32>
      %gather3A_514 = tpu.vector_load_idx %arg9[%add3A_513] : memref<40000xf32, #tpu.memory_space<vmem>>[vector<16xi32>], vector<16xf32>,
      %add3A_515 = arith.constant 2 : i32
      %add3A_516 = vector.broadcast %add3A_515 : i32 to vector<16xi32>
      %add3A_517 = arith.addi %mul3A_499, %add3A_516 : vector<16xi32>
      %gather3A_518 = tpu.vector_load_idx %arg9[%add3A_517] : memref<40000xf32, #tpu.memory_space<vmem>>[vector<16xi32>], vector<16xf32>,
      %sub3A_519 = arith.subf %gather3A_501, %gather3A_510 : vector<16xf32>
      %sub3A_520 = arith.subf %gather3A_505, %gather3A_514 : vector<16xf32>
      %sub3A_521 = arith.subf %gather3A_509, %gather3A_518 : vector<16xf32>
      %mul3A_522 = arith.mulf %sub3A_519, %sub3A_519 : vector<16xf32>
      %mul3A_523 = arith.mulf %sub3A_520, %sub3A_520 : vector<16xf32>
      %add3A_524 = arith.addf %mul3A_522, %mul3A_523 : vector<16xf32>
      %mul3A_525 = arith.mulf %sub3A_521, %sub3A_521 : vector<16xf32>
      %add3A_526 = arith.addf %add3A_524, %mul3A_525 : vector<16xf32>
      %bitcast3A_527 = vector.bitcast %add3A_526 : vector<16xf32> to vector<16xi32>
      %shift_right_arithmetic3A_528 = arith.constant 1 : i32
      %shift_right_arithmetic3A_529 = vector.broadcast %shift_right_arithmetic3A_528 : i32 to vector<16xi32>
      %shift_right_arithmetic3A_530 = arith.shrsi %bitcast3A_527, %shift_right_arithmetic3A_529 : vector<16xi32>
      %sub3A_531 = arith.constant 1597463007 : i32
      %sub3A_532 = vector.broadcast %sub3A_531 : i32 to vector<16xi32>
      %sub3A_533 = arith.subi %sub3A_532, %shift_right_arithmetic3A_530 : vector<16xi32>
      %bitcast3A_534 = vector.bitcast %sub3A_533 : vector<16xi32> to vector<16xf32>
      %mul3A_535 = arith.constant 5.000000e-01 : f32
      %mul3A_536 = vector.broadcast %mul3A_535 : f32 to vector<16xf32>
      %mul3A_537 = arith.mulf %mul3A_536, %add3A_526 : vector<16xf32>
      %mul3A_538 = arith.mulf %mul3A_537, %bitcast3A_534 : vector<16xf32>
      %mul3A_539 = arith.mulf %mul3A_538, %bitcast3A_534 : vector<16xf32>
      %sub3A_540 = arith.constant 1.500000e+00 : f32
      %sub3A_541 = vector.broadcast %sub3A_540 : f32 to vector<16xf32>
      %sub3A_542 = arith.subf %sub3A_541, %mul3A_539 : vector<16xf32>
      %mul3A_543 = arith.mulf %bitcast3A_534, %sub3A_542 : vector<16xf32>
      %mul3A_544 = arith.constant 5.000000e-01 : f32
      %mul3A_545 = vector.broadcast %mul3A_544 : f32 to vector<16xf32>
      %mul3A_546 = arith.mulf %mul3A_545, %add3A_526 : vector<16xf32>
      %mul3A_547 = arith.mulf %mul3A_546, %mul3A_543 : vector<16xf32>
      %mul3A_548 = arith.mulf %mul3A_547, %mul3A_543 : vector<16xf32>
      %sub3A_549 = arith.constant 1.500000e+00 : f32
      %sub3A_550 = vector.broadcast %sub3A_549 : f32 to vector<16xf32>
      %sub3A_551 = arith.subf %sub3A_550, %mul3A_548 : vector<16xf32>
      %mul3A_552 = arith.mulf %mul3A_543, %sub3A_551 : vector<16xf32>
      %mul3A_553 = arith.constant 5.000000e-01 : f32
      %mul3A_554 = vector.broadcast %mul3A_553 : f32 to vector<16xf32>
      %mul3A_555 = arith.mulf %mul3A_554, %add3A_526 : vector<16xf32>
      %mul3A_556 = arith.mulf %mul3A_555, %mul3A_552 : vector<16xf32>
      %mul3A_557 = arith.mulf %mul3A_556, %mul3A_552 : vector<16xf32>
      %sub3A_558 = arith.constant 1.500000e+00 : f32
      %sub3A_559 = vector.broadcast %sub3A_558 : f32 to vector<16xf32>
      %sub3A_560 = arith.subf %sub3A_559, %mul3A_557 : vector<16xf32>
      %mul3A_561 = arith.mulf %mul3A_552, %sub3A_560 : vector<16xf32>
      %mul3A_562 = arith.mulf %add3A_526, %mul3A_561 : vector<16xf32>
      %add3A_563 = arith.constant 9.99999993E-9 : f32
      %add3A_564 = vector.broadcast %add3A_563 : f32 to vector<16xf32>
      %add3A_565 = arith.addf %mul3A_562, %add3A_564 : vector<16xf32>
      %div3A_566 = arith.constant 1.000000e+00 : f32
      %div3A_567 = vector.broadcast %div3A_566 : f32 to vector<16xf32>
      %div3A_568 = arith.divf %div3A_567, %add3A_565 : vector<16xf32>
      %mul3A_569 = arith.constant 0.222222224 : f32
      %mul3A_570 = vector.broadcast %mul3A_569 : f32 to vector<16xf32>
      %mul3A_571 = arith.mulf %mul3A_562, %mul3A_570 : vector<16xf32>
      %mul3A_572 = arith.mulf %mul3A_571, %mul3A_571 : vector<16xf32>
      %mul3A_573 = arith.mulf %mul3A_572, %mul3A_572 : vector<16xf32>
      %mul3A_574 = arith.mulf %mul3A_573, %mul3A_571 : vector<16xf32>
      %mul3A_575 = arith.mulf %mul3A_574, %mul3A_571 : vector<16xf32>
      %mul3A_576 = arith.mulf %mul3A_575, %mul3A_571 : vector<16xf32>
      %mul3A_577 = arith.constant 2.100000e+01 : f32
      %mul3A_578 = vector.broadcast %mul3A_577 : f32 to vector<16xf32>
      %mul3A_579 = arith.mulf %mul3A_578, %mul3A_574 : vector<16xf32>
      %sub3A_580 = arith.constant 1.000000e+00 : f32
      %sub3A_581 = vector.broadcast %sub3A_580 : f32 to vector<16xf32>
      %sub3A_582 = arith.subf %sub3A_581, %mul3A_579 : vector<16xf32>
      %mul3A_583 = arith.constant 3.500000e+01 : f32
      %mul3A_584 = vector.broadcast %mul3A_583 : f32 to vector<16xf32>
      %mul3A_585 = arith.mulf %mul3A_584, %mul3A_575 : vector<16xf32>
      %add3A_586 = arith.addf %sub3A_582, %mul3A_585 : vector<16xf32>
      %mul3A_587 = arith.constant 1.500000e+01 : f32
      %mul3A_588 = vector.broadcast %mul3A_587 : f32 to vector<16xf32>
      %mul3A_589 = arith.mulf %mul3A_588, %mul3A_576 : vector<16xf32>
      %sub3A_590 = arith.subf %add3A_586, %mul3A_589 : vector<16xf32>
      %mul3A_591 = arith.mulf %div3A_568, %sub3A_590 : vector<16xf32>
      %add3A_592 = arith.constant 64 : i32
      %add3A_593 = vector.broadcast %add3A_592 : i32 to vector<16xi32>
      %add3A_594 = arith.addi %iota3A_500, %add3A_593 : vector<16xi32>
      %mul3A_595 = arith.constant 8 : i32
      %mul3A_596 = vector.broadcast %mul3A_595 : i32 to vector<16xi32>
      %mul3A_597 = arith.muli %add3A_594, %mul3A_596 : vector<16xi32>
      tpu.vector_store_idx %arg14[%mul3A_597], %mul3A_562 : memref<640xf32, #tpu.memory_space<vmem>>[vector<16xi32>], vector<16xf32>,
      %add3A_598 = arith.constant 1 : i32
      %add3A_599 = vector.broadcast %add3A_598 : i32 to vector<16xi32>
      %add3A_600 = arith.addi %mul3A_597, %add3A_599 : vector<16xi32>
      %mul3A_601 = arith.mulf %sub3A_519, %mul3A_591 : vector<16xf32>
      tpu.vector_store_idx %arg14[%add3A_600], %mul3A_601 : memref<640xf32, #tpu.memory_space<vmem>>[vector<16xi32>], vector<16xf32>,
      %add3A_602 = arith.constant 2 : i32
      %add3A_603 = vector.broadcast %add3A_602 : i32 to vector<16xi32>
      %add3A_604 = arith.addi %mul3A_597, %add3A_603 : vector<16xi32>
      %mul3A_605 = arith.mulf %sub3A_520, %mul3A_591 : vector<16xf32>
      tpu.vector_store_idx %arg14[%add3A_604], %mul3A_605 : memref<640xf32, #tpu.memory_space<vmem>>[vector<16xi32>], vector<16xf32>,
      %add3A_606 = arith.constant 3 : i32
      %add3A_607 = vector.broadcast %add3A_606 : i32 to vector<16xi32>
      %add3A_608 = arith.addi %mul3A_597, %add3A_607 : vector<16xi32>
      %mul3A_609 = arith.mulf %sub3A_521, %mul3A_591 : vector<16xf32>
      tpu.vector_store_idx %arg14[%add3A_608], %mul3A_609 : memref<640xf32, #tpu.memory_space<vmem>>[vector<16xi32>], vector<16xf32>,
      %dma_wait3A = arith.constant 0 : i32
      %dma_wait3A_610 = arith.constant 0 : i32
      %dma_wait3A_611 = tpu.memref_slice %arg2[%dma_wait3A, %dma_wait3A_610] : memref<10000x128xf32, #tpu.memory_space<hbm>> -> memref<10000x128xf32, #tpu.memory_space<hbm>>
      tpu.wait_indirect_dma semaphore(%arg15 : memref<!tpu.dma_semaphore, #tpu.memory_space<semaphore_mem>>) src(%dma_wait3A_611 : memref<10000x128xf32, #tpu.memory_space<hbm>>) dst(%arg12 : memref<80x128xf32, #tpu.memory_space<vmem>>)
      %dma_wait3A_612 = arith.constant 0 : i32
      %dma_wait3A_613 = arith.constant 0 : i32
      %dma_wait3A_614 = tpu.memref_slice %arg2[%dma_wait3A_612, %dma_wait3A_613] : memref<10000x128xf32, #tpu.memory_space<hbm>> -> memref<10000x128xf32, #tpu.memory_space<hbm>>
      tpu.wait_indirect_dma semaphore(%arg15 : memref<!tpu.dma_semaphore, #tpu.memory_space<semaphore_mem>>) src(%dma_wait3A_614 : memref<10000x128xf32, #tpu.memory_space<hbm>>) dst(%arg13 : memref<80x128xf32, #tpu.memory_space<vmem>>)
      "tpu.region"() ({
        %run_scoped3A = tpu.sem_alloc : memref<!tpu.dma_semaphore, #tpu.memory_space<semaphore_mem>>
        %dma_start3A_617 = arith.constant 0 : i32
        %dma_start3A_618 = tpu.memref_slice %arg6[%add3A_11, %dma_start3A_617] : memref<320000x128xf32, #tpu.memory_space<hbm>> -> memref<80x128xf32, #tpu.memory_space<hbm>>
        %dma_start3A_619 = arith.constant 0 : i32
        %dma_start3A_620 = tpu.memref_slice %arg6[%add3A_11, %dma_start3A_619] : memref<320000x128xf32, #tpu.memory_space<hbm>> -> memref<80x128xf32, #tpu.memory_space<hbm>>
        tpu.enqueue_dma source(%arg12 : memref<80x128xf32, #tpu.memory_space<vmem>>) target(%dma_start3A_620 : memref<80x128xf32, #tpu.memory_space<hbm>>) target_semaphore(%run_scoped3A : memref<!tpu.dma_semaphore, #tpu.memory_space<semaphore_mem>>)
        %dma_wait3A_621 = arith.constant 0 : i32
        %dma_wait3A_622 = tpu.memref_slice %arg6[%add3A_11, %dma_wait3A_621] : memref<320000x128xf32, #tpu.memory_space<hbm>> -> memref<80x128xf32, #tpu.memory_space<hbm>>
        %dma_wait3A_623 = arith.constant 0 : i32
        %dma_wait3A_624 = tpu.memref_slice %arg6[%add3A_11, %dma_wait3A_623] : memref<320000x128xf32, #tpu.memory_space<hbm>> -> memref<80x128xf32, #tpu.memory_space<hbm>>
        tpu.wait_dma2 semaphore(%run_scoped3A : memref<!tpu.dma_semaphore, #tpu.memory_space<semaphore_mem>>) src(%arg12 : memref<80x128xf32, #tpu.memory_space<vmem>>) dst(%dma_wait3A_624 : memref<80x128xf32, #tpu.memory_space<hbm>>)
        tpu.yield
      }) : () -> ()
      "tpu.region"() ({
        %run_scoped3A = tpu.sem_alloc : memref<!tpu.dma_semaphore, #tpu.memory_space<semaphore_mem>>
        %dma_start3A_617 = arith.constant 0 : i32
        %dma_start3A_618 = tpu.memref_slice %arg7[%add3A_11, %dma_start3A_617] : memref<320000x128xf32, #tpu.memory_space<hbm>> -> memref<80x128xf32, #tpu.memory_space<hbm>>
        %dma_start3A_619 = arith.constant 0 : i32
        %dma_start3A_620 = tpu.memref_slice %arg7[%add3A_11, %dma_start3A_619] : memref<320000x128xf32, #tpu.memory_space<hbm>> -> memref<80x128xf32, #tpu.memory_space<hbm>>
        tpu.enqueue_dma source(%arg13 : memref<80x128xf32, #tpu.memory_space<vmem>>) target(%dma_start3A_620 : memref<80x128xf32, #tpu.memory_space<hbm>>) target_semaphore(%run_scoped3A : memref<!tpu.dma_semaphore, #tpu.memory_space<semaphore_mem>>)
        %dma_wait3A_621 = arith.constant 0 : i32
        %dma_wait3A_622 = tpu.memref_slice %arg7[%add3A_11, %dma_wait3A_621] : memref<320000x128xf32, #tpu.memory_space<hbm>> -> memref<80x128xf32, #tpu.memory_space<hbm>>
        %dma_wait3A_623 = arith.constant 0 : i32
        %dma_wait3A_624 = tpu.memref_slice %arg7[%add3A_11, %dma_wait3A_623] : memref<320000x128xf32, #tpu.memory_space<hbm>> -> memref<80x128xf32, #tpu.memory_space<hbm>>
        tpu.wait_dma2 semaphore(%run_scoped3A : memref<!tpu.dma_semaphore, #tpu.memory_space<semaphore_mem>>) src(%arg13 : memref<80x128xf32, #tpu.memory_space<vmem>>) dst(%dma_wait3A_624 : memref<80x128xf32, #tpu.memory_space<hbm>>)
        tpu.yield
      }) : () -> ()
      %mul3A_615 = arith.constant 8 : i32
      %mul3A_616 = arith.muli %add3A_11, %mul3A_615 : i32
      "tpu.region"() ({
        %run_scoped3A = tpu.sem_alloc : memref<!tpu.dma_semaphore, #tpu.memory_space<semaphore_mem>>
        %dma_start3A_617 = tpu.memref_slice %arg8[%mul3A_616] : memref<2560000xf32, #tpu.memory_space<hbm>> -> memref<640xf32, #tpu.memory_space<hbm>>
        %dma_start3A_618 = tpu.memref_slice %arg8[%mul3A_616] : memref<2560000xf32, #tpu.memory_space<hbm>> -> memref<640xf32, #tpu.memory_space<hbm>>
        tpu.enqueue_dma source(%arg14 : memref<640xf32, #tpu.memory_space<vmem>>) target(%dma_start3A_618 : memref<640xf32, #tpu.memory_space<hbm>>) target_semaphore(%run_scoped3A : memref<!tpu.dma_semaphore, #tpu.memory_space<semaphore_mem>>)
        %dma_wait3A_619 = tpu.memref_slice %arg8[%mul3A_616] : memref<2560000xf32, #tpu.memory_space<hbm>> -> memref<640xf32, #tpu.memory_space<hbm>>
        %dma_wait3A_620 = tpu.memref_slice %arg8[%mul3A_616] : memref<2560000xf32, #tpu.memory_space<hbm>> -> memref<640xf32, #tpu.memory_space<hbm>>
        tpu.wait_dma2 semaphore(%run_scoped3A : memref<!tpu.dma_semaphore, #tpu.memory_space<semaphore_mem>>) src(%arg14 : memref<640xf32, #tpu.memory_space<vmem>>) dst(%dma_wait3A_620 : memref<640xf32, #tpu.memory_space<hbm>>)
        tpu.yield
      }) : () -> ()
    }
    %scan3A_5 = arith.constant 125 : i32
    return
  }
}

module attributes {stable_mosaic.version = 14 : i64} {
  func.func @_mlp_body(%arg0: i32, %arg1: memref<2560x128xf32, #tpu.memory_space<vmem>>, %arg2: memref<2560x128xf32, #tpu.memory_space<vmem>>, %arg3: memref<2560x8xf32, #tpu.memory_space<vmem>>, %arg4: memref<128x512xbf16, #tpu.memory_space<vmem>>, %arg5: memref<128x512xbf16, #tpu.memory_space<vmem>>, %arg6: memref<1x512xbf16, #tpu.memory_space<vmem>>, %arg7: memref<1x512xf32, #tpu.memory_space<vmem>>, %arg8: memref<512x2xbf16, #tpu.memory_space<vmem>>, %arg9: memref<1x2xf32, #tpu.memory_space<vmem>>, %arg10: memref<2560x8xf32, #tpu.memory_space<vmem>>) attributes {dimension_semantics = [#tpu.dimension_semantics<arbitrary>], iteration_bounds = array<i64: 125>, scalar_prefetch = 0 : i64, scratch_operands = 0 : i64, tpu.core_type = #tpu.core_type<tc>, window_params = [{transform_indices = @transform_0, window_bounds = array<i64: 2560, 128>}, {transform_indices = @transform_1, window_bounds = array<i64: 2560, 128>}, {transform_indices = @transform_2, window_bounds = array<i64: 2560, 8>}, {pipeline_mode = #tpu.pipeline_mode<synchronous>, transform_indices = @transform_3, window_bounds = array<i64: 128, 512>}, {pipeline_mode = #tpu.pipeline_mode<synchronous>, transform_indices = @transform_4, window_bounds = array<i64: 128, 512>}, {pipeline_mode = #tpu.pipeline_mode<synchronous>, transform_indices = @transform_5, window_bounds = array<i64: 1, 512>}, {pipeline_mode = #tpu.pipeline_mode<synchronous>, transform_indices = @transform_6, window_bounds = array<i64: 1, 512>}, {pipeline_mode = #tpu.pipeline_mode<synchronous>, transform_indices = @transform_7, window_bounds = array<i64: 512, 2>}, {pipeline_mode = #tpu.pipeline_mode<synchronous>, transform_indices = @transform_8, window_bounds = array<i64: 1, 2>}, {transform_indices = @transform_9, window_bounds = array<i64: 2560, 8>}]} {
    %get3A = arith.constant 0 : index
    %get3A_0 = arith.constant 0 : index
    %get3A_1 = vector.load %arg1[%get3A, %get3A_0] : memref<2560x128xf32, #tpu.memory_space<vmem>>, vector<2560x128xf32>
    %convert_element_type3A = arith.truncf %get3A_1 : vector<2560x128xf32> to vector<2560x128xbf16>
    %get3A_2 = arith.constant 0 : index
    %get3A_3 = arith.constant 0 : index
    %get3A_4 = vector.load %arg4[%get3A_2, %get3A_3] : memref<128x512xbf16, #tpu.memory_space<vmem>>, vector<128x512xbf16>
    %dot_general3A = arith.constant dense<0.000000e+00> : vector<2560x512xf32>
    %dot_general3A_5 = tpu.matmul %convert_element_type3A, %get3A_4, %dot_general3A {dimension_numbers = #tpu.dot_dimension_numbers<[1], [0], [0], [1], [0, 0, 1, 1], [], []>, transpose_lhs_hint = false} : vector<2560x128xbf16>, vector<128x512xbf16>, vector<2560x512xf32> -> vector<2560x512xf32>
    %get3A_6 = arith.constant 0 : index
    %get3A_7 = arith.constant 0 : index
    %get3A_8 = vector.load %arg2[%get3A_6, %get3A_7] : memref<2560x128xf32, #tpu.memory_space<vmem>>, vector<2560x128xf32>
    %convert_element_type3A_9 = arith.truncf %get3A_8 : vector<2560x128xf32> to vector<2560x128xbf16>
    %get3A_10 = arith.constant 0 : index
    %get3A_11 = arith.constant 0 : index
    %get3A_12 = vector.load %arg5[%get3A_10, %get3A_11] : memref<128x512xbf16, #tpu.memory_space<vmem>>, vector<128x512xbf16>
    %dot_general3A_13 = arith.constant dense<0.000000e+00> : vector<2560x512xf32>
    %dot_general3A_14 = tpu.matmul %convert_element_type3A_9, %get3A_12, %dot_general3A_13 {dimension_numbers = #tpu.dot_dimension_numbers<[1], [0], [0], [1], [0, 0, 1, 1], [], []>, transpose_lhs_hint = false} : vector<2560x128xbf16>, vector<128x512xbf16>, vector<2560x512xf32> -> vector<2560x512xf32>
    %add3A = arith.addf %dot_general3A_5, %dot_general3A_14 : vector<2560x512xf32>
    %get3A_15 = arith.constant 0 : index
    %get3A_16 = arith.constant 0 : index
    %get3A_17 = vector.load %arg3[%get3A_15, %get3A_16] : memref<2560x8xf32, #tpu.memory_space<vmem>>, vector<2560x1xf32>
    %convert_element_type3A_18 = arith.truncf %get3A_17 : vector<2560x1xf32> to vector<2560x1xbf16>
    %convert_element_type3A_19 = arith.extf %convert_element_type3A_18 : vector<2560x1xbf16> to vector<2560x1xf32>
    %get3A_20 = arith.constant 0 : index
    %get3A_21 = arith.constant 0 : index
    %get3A_22 = vector.load %arg6[%get3A_20, %get3A_21] : memref<1x512xbf16, #tpu.memory_space<vmem>>, vector<1x512xbf16>
    %convert_element_type3A_23 = arith.extf %get3A_22 : vector<1x512xbf16> to vector<1x512xf32>
    %mul3A = vector.broadcast %convert_element_type3A_19 : vector<2560x1xf32> to vector<2560x512xf32>
    %mul3A_24 = vector.broadcast %convert_element_type3A_23 : vector<1x512xf32> to vector<2560x512xf32>
    %mul3A_25 = arith.mulf %mul3A, %mul3A_24 : vector<2560x512xf32>
    %add3A_26 = arith.addf %add3A, %mul3A_25 : vector<2560x512xf32>
    %get3A_27 = arith.constant 0 : index
    %get3A_28 = arith.constant 0 : index
    %get3A_29 = vector.load %arg7[%get3A_27, %get3A_28] : memref<1x512xf32, #tpu.memory_space<vmem>>, vector<1x512xf32>
    %add3A_30 = vector.broadcast %get3A_29 : vector<1x512xf32> to vector<2560x512xf32>
    %add3A_31 = arith.addf %add3A_26, %add3A_30 : vector<2560x512xf32>
    %logistic3A = arith.negf %add3A_31 : vector<2560x512xf32>
    %logistic3A_32 = math.exp %logistic3A : vector<2560x512xf32>
    %logistic3A_33 = arith.constant 1.000000e+00 : f32
    %logistic3A_34 = vector.broadcast %logistic3A_33 : f32 to vector<2560x512xf32>
    %logistic3A_35 = arith.addf %logistic3A_34, %logistic3A_32 : vector<2560x512xf32>
    %logistic3A_36 = arith.divf %logistic3A_34, %logistic3A_35 : vector<2560x512xf32>
    %mul3A_37 = arith.mulf %add3A_31, %logistic3A_36 : vector<2560x512xf32>
    %convert_element_type3A_38 = arith.truncf %mul3A_37 : vector<2560x512xf32> to vector<2560x512xbf16>
    %get3A_39 = arith.constant 0 : index
    %get3A_40 = arith.constant 0 : index
    %get3A_41 = vector.load %arg8[%get3A_39, %get3A_40] : memref<512x2xbf16, #tpu.memory_space<vmem>>, vector<512x2xbf16>
    %dot_general3A_42 = arith.constant dense<0.000000e+00> : vector<2560x2xf32>
    %dot_general3A_43 = tpu.matmul %convert_element_type3A_38, %get3A_41, %dot_general3A_42 {dimension_numbers = #tpu.dot_dimension_numbers<[1], [0], [0], [1], [0, 0, 1, 1], [], []>, transpose_lhs_hint = false} : vector<2560x512xbf16>, vector<512x2xbf16>, vector<2560x2xf32> -> vector<2560x2xf32>
    %get3A_44 = arith.constant 0 : index
    %get3A_45 = arith.constant 0 : index
    %get3A_46 = vector.load %arg9[%get3A_44, %get3A_45] : memref<1x2xf32, #tpu.memory_space<vmem>>, vector<1x2xf32>
    %add3A_47 = vector.broadcast %get3A_46 : vector<1x2xf32> to vector<2560x2xf32>
    %add3A_48 = arith.addf %dot_general3A_43, %add3A_47 : vector<2560x2xf32>
    %get3A_49 = arith.constant 0 : index
    %get3A_50 = arith.constant 1 : index
    %get3A_51 = vector.load %arg3[%get3A_49, %get3A_50] : memref<2560x8xf32, #tpu.memory_space<vmem>>, vector<2560x3xf32>
    %slice3A = vector.extract_strided_slice %add3A_48 {offsets = [0, 0], sizes = [2560, 1], strides = [1, 1]} : vector<2560x2xf32> to vector<2560x1xf32>
    %mul3A_52 = vector.broadcast %slice3A : vector<2560x1xf32> to vector<2560x3xf32>
    %mul3A_53 = arith.mulf %get3A_51, %mul3A_52 : vector<2560x3xf32>
    %slice3A_54 = vector.extract_strided_slice %add3A_48 {offsets = [0, 1], sizes = [2560, 1], strides = [1, 1]} : vector<2560x2xf32> to vector<2560x1xf32>
    %mul3A_55 = vector.broadcast %slice3A_54 : vector<2560x1xf32> to vector<2560x3xf32>
    %mul3A_56 = arith.mulf %get3A_51, %mul3A_55 : vector<2560x3xf32>
    %broadcast_in_dim3A = arith.constant 0.000000e+00 : f32
    %broadcast_in_dim3A_57 = vector.broadcast %broadcast_in_dim3A : f32 to vector<2560x2xf32>
    %concatenate3A = tpu.concatenate %mul3A_53, %mul3A_56, %broadcast_in_dim3A_57 in 1 : vector<2560x3xf32>, vector<2560x3xf32>, vector<2560x2xf32> -> vector<2560x8xf32>
    %swap3A = arith.constant 0 : index
    %swap3A_58 = arith.constant 0 : index
    %swap3A_59 = vector.load %arg10[%swap3A, %swap3A_58] : memref<2560x8xf32, #tpu.memory_space<vmem>>, vector<2560x8xf32>
    tpu.vector_store %arg10[%swap3A, %swap3A_58], %concatenate3A {strides = array<i32>} : memref<2560x8xf32, #tpu.memory_space<vmem>>, vector<2560x8xf32>,
    return
  }
  func.func @transform_0(%arg0: i32) -> (i32, i32) {
    %c0_i32 = arith.constant 0 : i32
    %c0_i32_0 = arith.constant 0 : i32
    return %arg0, %c0_i32 : i32, i32
  }
  func.func @transform_1(%arg0: i32) -> (i32, i32) {
    %c0_i32 = arith.constant 0 : i32
    %c0_i32_0 = arith.constant 0 : i32
    return %arg0, %c0_i32 : i32, i32
  }
  func.func @transform_2(%arg0: i32) -> (i32, i32) {
    %c0_i32 = arith.constant 0 : i32
    %c0_i32_0 = arith.constant 0 : i32
    return %arg0, %c0_i32 : i32, i32
  }
  func.func @transform_3(%arg0: i32) -> (i32, i32) {
    %c0_i32 = arith.constant 0 : i32
    %c0_i32_0 = arith.constant 0 : i32
    %c0_i32_1 = arith.constant 0 : i32
    return %c0_i32, %c0_i32_0 : i32, i32
  }
  func.func @transform_4(%arg0: i32) -> (i32, i32) {
    %c0_i32 = arith.constant 0 : i32
    %c0_i32_0 = arith.constant 0 : i32
    %c0_i32_1 = arith.constant 0 : i32
    return %c0_i32, %c0_i32_0 : i32, i32
  }
  func.func @transform_5(%arg0: i32) -> (i32, i32) {
    %c0_i32 = arith.constant 0 : i32
    %c0_i32_0 = arith.constant 0 : i32
    %c0_i32_1 = arith.constant 0 : i32
    return %c0_i32, %c0_i32_0 : i32, i32
  }
  func.func @transform_6(%arg0: i32) -> (i32, i32) {
    %c0_i32 = arith.constant 0 : i32
    %c0_i32_0 = arith.constant 0 : i32
    %c0_i32_1 = arith.constant 0 : i32
    return %c0_i32, %c0_i32_0 : i32, i32
  }
  func.func @transform_7(%arg0: i32) -> (i32, i32) {
    %c0_i32 = arith.constant 0 : i32
    %c0_i32_0 = arith.constant 0 : i32
    %c0_i32_1 = arith.constant 0 : i32
    return %c0_i32, %c0_i32_0 : i32, i32
  }
  func.func @transform_8(%arg0: i32) -> (i32, i32) {
    %c0_i32 = arith.constant 0 : i32
    %c0_i32_0 = arith.constant 0 : i32
    %c0_i32_1 = arith.constant 0 : i32
    return %c0_i32, %c0_i32_0 : i32, i32
  }
  func.func @transform_9(%arg0: i32) -> (i32, i32) {
    %c0_i32 = arith.constant 0 : i32
    %c0_i32_0 = arith.constant 0 : i32
    return %arg0, %c0_i32 : i32, i32
  }
}

module attributes {stable_mosaic.version = 14 : i64} {
  func.func @_norm_body(%arg0: memref<32x6x10240xf32, #tpu.memory_space<vmem>>, %arg1: memref<9x10240xf32, #tpu.memory_space<vmem>>) attributes {dimension_semantics = [], scalar_prefetch = 0 : i64, scratch_operands = 0 : i64, tpu.core_type = #tpu.core_type<tc>} {
    %get3A = arith.constant 0 : index
    %get3A_0 = arith.constant 0 : index
    %get3A_1 = arith.constant 0 : index
    %get3A_2 = vector.load %arg0[%get3A, %get3A_0, %get3A_1] : memref<32x6x10240xf32, #tpu.memory_space<vmem>>, vector<32x6x10240xf32>
    %reduce_sum3A = arith.constant dense<0.000000e+00> : vector<6x10240xf32>
    %reduce_sum3A_3 = vector.multi_reduction <add>, %get3A_2, %reduce_sum3A [0] : vector<32x6x10240xf32> to vector<6x10240xf32>
    %slice3A = vector.extract_strided_slice %reduce_sum3A_3 {offsets = [0, 0], sizes = [3, 10240], strides = [1, 1]} : vector<6x10240xf32> to vector<3x10240xf32>
    %slice3A_4 = vector.extract_strided_slice %reduce_sum3A_3 {offsets = [3, 0], sizes = [3, 10240], strides = [1, 1]} : vector<6x10240xf32> to vector<3x10240xf32>
    %mul3A = arith.mulf %slice3A, %slice3A : vector<3x10240xf32>
    %reduce_sum3A_5 = arith.constant dense<0.000000e+00> : vector<10240xf32>
    %reduce_sum3A_6 = vector.multi_reduction <add>, %mul3A, %reduce_sum3A_5 [0] : vector<3x10240xf32> to vector<10240xf32>
    %broadcast_in_dim3A = vector.shape_cast %reduce_sum3A_6 : vector<10240xf32> to vector<1x10240xf32>
    %sqrt3A = math.sqrt %broadcast_in_dim3A : vector<1x10240xf32>
    %add3A = arith.constant 9.99999993E-9 : f32
    %add3A_7 = vector.broadcast %add3A : f32 to vector<1x10240xf32>
    %add3A_8 = arith.addf %sqrt3A, %add3A_7 : vector<1x10240xf32>
    %div3A = vector.broadcast %add3A_8 : vector<1x10240xf32> to vector<3x10240xf32>
    %div3A_9 = arith.divf %slice3A, %div3A : vector<3x10240xf32>
    %mul3A_10 = arith.mulf %div3A_9, %slice3A_4 : vector<3x10240xf32>
    %reduce_sum3A_11 = arith.constant dense<0.000000e+00> : vector<10240xf32>
    %reduce_sum3A_12 = vector.multi_reduction <add>, %mul3A_10, %reduce_sum3A_11 [0] : vector<3x10240xf32> to vector<10240xf32>
    %broadcast_in_dim3A_13 = vector.shape_cast %reduce_sum3A_12 : vector<10240xf32> to vector<1x10240xf32>
    %mul3A_14 = vector.broadcast %broadcast_in_dim3A_13 : vector<1x10240xf32> to vector<3x10240xf32>
    %mul3A_15 = arith.mulf %mul3A_14, %div3A_9 : vector<3x10240xf32>
    %sub3A = arith.subf %slice3A_4, %mul3A_15 : vector<3x10240xf32>
    %mul3A_16 = arith.mulf %sub3A, %sub3A : vector<3x10240xf32>
    %reduce_sum3A_17 = arith.constant dense<0.000000e+00> : vector<10240xf32>
    %reduce_sum3A_18 = vector.multi_reduction <add>, %mul3A_16, %reduce_sum3A_17 [0] : vector<3x10240xf32> to vector<10240xf32>
    %broadcast_in_dim3A_19 = vector.shape_cast %reduce_sum3A_18 : vector<10240xf32> to vector<1x10240xf32>
    %sqrt3A_20 = math.sqrt %broadcast_in_dim3A_19 : vector<1x10240xf32>
    %add3A_21 = arith.constant 9.99999993E-9 : f32
    %add3A_22 = vector.broadcast %add3A_21 : f32 to vector<1x10240xf32>
    %add3A_23 = arith.addf %sqrt3A_20, %add3A_22 : vector<1x10240xf32>
    %div3A_24 = vector.broadcast %add3A_23 : vector<1x10240xf32> to vector<3x10240xf32>
    %div3A_25 = arith.divf %sub3A, %div3A_24 : vector<3x10240xf32>
    %slice3A_26 = vector.extract_strided_slice %div3A_9 {offsets = [1, 0], sizes = [1, 10240], strides = [1, 1]} : vector<3x10240xf32> to vector<1x10240xf32>
    %slice3A_27 = vector.extract_strided_slice %div3A_25 {offsets = [2, 0], sizes = [1, 10240], strides = [1, 1]} : vector<3x10240xf32> to vector<1x10240xf32>
    %mul3A_28 = arith.mulf %slice3A_26, %slice3A_27 : vector<1x10240xf32>
    %slice3A_29 = vector.extract_strided_slice %div3A_9 {offsets = [2, 0], sizes = [1, 10240], strides = [1, 1]} : vector<3x10240xf32> to vector<1x10240xf32>
    %slice3A_30 = vector.extract_strided_slice %div3A_25 {offsets = [1, 0], sizes = [1, 10240], strides = [1, 1]} : vector<3x10240xf32> to vector<1x10240xf32>
    %mul3A_31 = arith.mulf %slice3A_29, %slice3A_30 : vector<1x10240xf32>
    %sub3A_32 = arith.subf %mul3A_28, %mul3A_31 : vector<1x10240xf32>
    %slice3A_33 = vector.extract_strided_slice %div3A_9 {offsets = [2, 0], sizes = [1, 10240], strides = [1, 1]} : vector<3x10240xf32> to vector<1x10240xf32>
    %slice3A_34 = vector.extract_strided_slice %div3A_25 {offsets = [0, 0], sizes = [1, 10240], strides = [1, 1]} : vector<3x10240xf32> to vector<1x10240xf32>
    %mul3A_35 = arith.mulf %slice3A_33, %slice3A_34 : vector<1x10240xf32>
    %slice3A_36 = vector.extract_strided_slice %div3A_9 {offsets = [0, 0], sizes = [1, 10240], strides = [1, 1]} : vector<3x10240xf32> to vector<1x10240xf32>
    %slice3A_37 = vector.extract_strided_slice %div3A_25 {offsets = [2, 0], sizes = [1, 10240], strides = [1, 1]} : vector<3x10240xf32> to vector<1x10240xf32>
    %mul3A_38 = arith.mulf %slice3A_36, %slice3A_37 : vector<1x10240xf32>
    %sub3A_39 = arith.subf %mul3A_35, %mul3A_38 : vector<1x10240xf32>
    %slice3A_40 = vector.extract_strided_slice %div3A_9 {offsets = [0, 0], sizes = [1, 10240], strides = [1, 1]} : vector<3x10240xf32> to vector<1x10240xf32>
    %slice3A_41 = vector.extract_strided_slice %div3A_25 {offsets = [1, 0], sizes = [1, 10240], strides = [1, 1]} : vector<3x10240xf32> to vector<1x10240xf32>
    %mul3A_42 = arith.mulf %slice3A_40, %slice3A_41 : vector<1x10240xf32>
    %slice3A_43 = vector.extract_strided_slice %div3A_9 {offsets = [1, 0], sizes = [1, 10240], strides = [1, 1]} : vector<3x10240xf32> to vector<1x10240xf32>
    %slice3A_44 = vector.extract_strided_slice %div3A_25 {offsets = [0, 0], sizes = [1, 10240], strides = [1, 1]} : vector<3x10240xf32> to vector<1x10240xf32>
    %mul3A_45 = arith.mulf %slice3A_43, %slice3A_44 : vector<1x10240xf32>
    %sub3A_46 = arith.subf %mul3A_42, %mul3A_45 : vector<1x10240xf32>
    %concatenate3A = tpu.concatenate %div3A_9, %div3A_25, %sub3A_32, %sub3A_39, %sub3A_46 in 0 : vector<3x10240xf32>, vector<3x10240xf32>, vector<1x10240xf32>, vector<1x10240xf32>, vector<1x10240xf32> -> vector<9x10240xf32>
    %swap3A = arith.constant 0 : index
    %swap3A_47 = arith.constant 0 : index
    %swap3A_48 = vector.load %arg1[%swap3A, %swap3A_47] : memref<9x10240xf32, #tpu.memory_space<vmem>>, vector<9x10240xf32>
    tpu.vector_store %arg1[%swap3A, %swap3A_47], %concatenate3A {strides = array<i32>} : memref<9x10240xf32, #tpu.memory_space<vmem>>, vector<9x10240xf32>,
    return
  }
}

</mosaic_0001>

<sc_bundles>
// kernel: kernel.6.cloned.1.call-start
scs
__scs_entry_jumppad:
0x0: {  	(pc) =	sbr.rel $0x88, $3  }
0x1: {  	(tag) =	ssettag $0x0;
	lr =	simm.s32 $0x1  }
0x2: {  	[smem:$0x3F96] =	sst lr;
	_ =	strace $0xD0000000  }
0x3: {  	_ = 	snop  }
0x4: {  	_ = 	snop  }
0x5: {  	_ = 	snop  }
0x6: {  	_ = 	snop  }
0x7: {  	_ = 	snop  }
__scs_overlays_trampoline_lowered:
0x8: {  	[smem:$0x3FA5] =	sst s0  }
0x9: {  	[smem:$0x3FA6] =	sst s1  }
0xa: {  	[smem:$0x3FA7] =	sst s2  }
0xb: {  	[smem:$0x3FA8] =	sst s3  }
0xc: {  	[smem:$0x3FA9] =	sst s4  }
0xd: {  	[smem:$0x3FAA] =	sst s5  }
0xe: {  	[smem:$0x3FAB] =	sst s6  }
0xf: {  	[smem:$0x3FAC] =	sst s7  }
0x10: {  	[smem:$0x3FAD] =	sst s8  }
0x11: {  	[smem:$0x3FAE] =	sst s9;
	s0 =	simm.s32 @!p0 $0x0  }
0x12: {  	s1 =	sld [smem:$0x3F94];
	s0 =	simm.s32 @p0 $0x1  }
0x13: {  	[smem:$0x3FAF] =	sst s0;
	s0 =	simm.s32 @!p1 $0x0  }
0x14: {  	s2 =	sld [smem:$0x3F93];
	s0 =	simm.s32 @p1 $0x1  }
0x15: {  	[smem:$0x3FB0] =	sst s0;
	s0 =	simm.s32 @!p2 $0x0  }
0x16: {  	s3 =	sld [smem:$0x3FDB];
	s0 =	simm.s32 @p2 $0x1  }
0x17: {  	s4 =	simm.s32 $0x1BF5;
	[smem:$0x3FB2] =	sst s0  }
0x18: {  	s0 =	sld [smem:$0x3F95];
	_ =	swait.ge [sflag:s4], $0x0  }
0x19: {  	s7 =	sld [smem:$0x3F96]  }
0x1a: {  	s8 =	sadd.s32 $0xFFFFE003, lr  }
0x1b: {  	s9 =	sadd.s32 $0xFFFFFEF7, lr;
	s5 =	simm.s32 $0xFFFFFFFF;
	p2 =	slt.u32 s8, $0xFFFFF086  }
0x1c: {  	p1 =	slt.u32 s9, $0xF7A;
	s5 =	simm.s32 @!p2 $0x0  }
0x1d: {  	s5 =	simm.s32 @p1 $0x1;
	p0 =	seq.s32 s7, s2  }
0x1e: {  	s7 =	smul.u32 @!p0 $0xF7A, s2;
	p2 =	seq.s32 @!p0 s5, $0x0  }
0x1f: {  	s9 =	smul.u32 $0xF7A, s1;
	s8 =	simm.s32 @!p0 $0x1BF5;
	p2 =	por !p2, p0  }
0x20: {  	[sflag:s8] =	ssyncset.s32 @!p0 $0xFFFFF086;
	s6 =	sadd.s32 @!p0 s3, s7;
	s7 =	simm.s32 @!p0 $0x108  }
0x21: {  	s3 =	sadd.s32 s3, s9;
	s6 =	sadd.s32 @!p0 $0x88, s6;
	s7 =	simm.s32 @p2 $0x1082  }
0x22: {  	[simem:s7], [sflag:s8] =	dma.local @!p0 [hbm:s6], $0xF7A  }
0x23: {  	s9 =	sor.u32 $0xD0000000, s2;
	s6 =	simm.s32 $0x108;
	_ =	swait.ge @!p0 [sflag:s8], $0x0  }
0x24: {  	s3 =	sadd.s32 $0x88, s3;
	s6 =	simm.s32 @!p1 $0x1082;
	[sflag:s4] =	ssyncset.s32 $0xFFFFF086  }
0x25: {  	[simem:s6], [sflag:s4] =	dma.local [hbm:s3], $0xF7A  }
0x26: {  	[smem:$0x3F96] =	sst s1;
	(tag) =	ssettag s2;
	_ =	strace s9  }
0x27: {  	s1 =	sld [smem:$0x3FA6]  }
0x28: {  	s2 =	sld [smem:$0x3FA7]  }
0x29: {  	s4 =	sld [smem:$0x3FA9]  }
0x2a: {  	p0 =	seq.s32 s5, $0x0;
	s5 =	sld [smem:$0x3FAA]  }
0x2b: {  	s6 =	sld [smem:$0x3FAB]  }
0x2c: {  	s7 =	sld [smem:$0x3FAC]  }
0x2d: {  	s3 =	simm.s32 $0x108;
	s8 =	sld [smem:$0x3FAD]  }
0x2e: {  	s3 =	simm.s32 @!p0 $0x1082;
	s9 =	sld [smem:$0x3FAE]  }
0x2f: {  	lr =	sadd.s32 s0, s3;
	s0 =	sld [smem:$0x3FA5]  }
0x30: {  	s3 =	sld [smem:$0x3FA8]  }
0x31: {  	[smem:$0x3FB1] =	sst s10  }
0x32: {  	s10 =	sld [smem:$0x3FAF];
	_ =	sdelay $0x3  }
0x33: {  	p0 =	seq.s32 s10, $0x1;
	s10 =	sld [smem:$0x3FB1];
	_ =	sdelay $0x3  }
0x34: {  	[smem:$0x3FB1] =	sst s10  }
0x35: {  	s10 =	sld [smem:$0x3FB0];
	_ =	sdelay $0x3  }
0x36: {  	p1 =	seq.s32 s10, $0x1;
	s10 =	sld [smem:$0x3FB1];
	_ =	sdelay $0x3  }
0x37: {  	[smem:$0x3FB1] =	sst s10  }
0x38: {  	s10 =	sld [smem:$0x3FB2]  }
0x39: {  	_ = 	snop;
	(pc) =	sbr.ind lr, $3  }
0x3a: {  	_ = 	snop  }
0x3b: {  	_ = 	snop  }
0x3c: {  	p2 =	seq.s32 s10, $0x1;
	s10 =	sld [smem:$0x3FB1]  }
0x3d: {  	_ =	shalt  }
0x3e: {  	_ =	shalt  }
0x3f: {  	_ =	shalt  }
0x40: {  	_ =	shalt  }
0x41: {  	_ =	shalt  }
0x42: {  	_ =	shalt  }
0x43: {  	_ =	shalt  }
0x44: {  	_ =	shalt  }
0x45: {  	_ =	shalt  }
0x46: {  	_ =	shalt  }
0x47: {  	_ =	shalt  }
0x48: {  	_ =	shalt  }
0x49: {  	_ =	shalt  }
0x4a: {  	_ =	shalt  }
0x4b: {  	_ =	shalt  }
0x4c: {  	_ =	shalt  }
0x4d: {  	_ =	shalt  }
0x4e: {  	_ =	shalt  }
0x4f: {  	_ =	shalt  }
0x50: {  	_ =	shalt  }
0x51: {  	_ =	shalt  }
0x52: {  	_ =	shalt  }
0x53: {  	_ =	shalt  }
0x54: {  	_ =	shalt  }
0x55: {  	_ =	shalt  }
0x56: {  	_ =	shalt  }
0x57: {  	_ =	shalt  }
0x58: {  	_ =	shalt  }
0x59: {  	_ =	shalt  }
0x5a: {  	_ =	shalt  }
0x5b: {  	_ =	shalt  }
0x5c: {  	_ =	shalt  }
0x5d: {  	_ =	shalt  }
0x5e: {  	_ =	shalt  }
0x5f: {  	_ =	shalt  }
0x60: {  	_ =	shalt  }
0x61: {  	_ =	shalt  }
0x62: {  	_ =	shalt  }
0x63: {  	_ =	shalt  }
0x64: {  	_ =	shalt  }
0x65: {  	_ =	shalt  }
0x66: {  	_ =	shalt  }
0x67: {  	_ =	shalt  }
0x68: {  	_ =	shalt  }
0x69: {  	_ =	shalt  }
0x6a: {  	_ =	shalt  }
0x6b: {  	_ =	shalt  }
0x6c: {  	_ =	shalt  }
0x6d: {  	_ =	shalt  }
0x6e: {  	_ =	shalt  }
0x6f: {  	_ =	shalt  }
0x70: {  	_ =	shalt  }
0x71: {  	_ =	shalt  }
0x72: {  	_ =	shalt  }
0x73: {  	_ =	shalt  }
0x74: {  	_ =	shalt  }
0x75: {  	_ =	shalt  }
0x76: {  	_ =	shalt  }
0x77: {  	_ =	shalt  }
0x78: {  	_ =	shalt  }
0x79: {  	_ =	shalt  }
0x7a: {  	_ =	shalt  }
0x7b: {  	_ =	shalt  }
0x7c: {  	_ =	shalt  }
0x7d: {  	_ =	shalt  }
0x7e: {  	_ =	shalt  }
0x7f: {  	_ =	shalt  }
0x80: {  	_ =	shalt  }
0x81: {  	_ =	shalt  }
0x82: {  	_ =	shalt  }
0x83: {  	_ =	shalt  }
0x84: {  	_ =	shalt  }
0x85: {  	_ =	shalt  }
0x86: {  	_ =	shalt  }
0x87: {  	_ =	shalt  }
.Lfunc_end0:
.L_simem_size_0:
called_computation_lowered:
.L_overlay_start_0:
0x88: {  	s2 =	sld [smem:$0x3FD9]  }
0x89: {  	s3 =	sld [smem:$0x3FFE];
	_ =	sdelay $0x1  }
0x8a: {  	s1 =	srdreg.scid  }
0x8b: {  	s0 =	sand.u32 $0x1, s1  }
0x8c: {  	s17 =	sshll.u32 s0, $0xA;
	s2 =	sadd.s32 s3, s2  }
0x8d: {  	s2 =	sadd.s32 s2, s17  }
0x8e: {  	[smem:$0x3FBD] =	sst s2  }
0x8f: {  	_ = 	snop  }
0x90: {  	s2 =	sld [smem:$0x3FC9]  }
0x91: {  	s18 =	sld [smem:$0x3FD0];
	(tm) =	ssettm $0x1  }
0x92: {  	s4 =	sld [smem:$0x3FFB];
	_ =	sdelay $0x3  }
0x93: {  	_ =	strace s4  }
0x94: {  	s4 =	sld [smem:$0x3FFC];
	_ =	sdelay $0x3  }
0x95: {  	_ =	strace s4  }
0x96: {  	s4 =	sld [smem:$0x3FFD];
	_ =	sdelay $0x3  }
0x97: {  	_ =	strace s4  }
0x98: {  	_ =	strace $0x8FFFFFFF  }
0x99: {  	s19 =	sld [smem:$0x3FDB];
	_ =	sdelay $0x1  }
0x9a: {  	s5 =	simm.s32 $_scs_section_size  }
0x9b: {  	s6 =	simm.s32 $_size__tile_overlayer_lowered;
	s7 =	simm.s32 $_tile_overlayer_lowered  }
0x9c: {  	s22 =	simm.s32 $0x1BFF;
	s21 =	sshll.u32 s7, $0x1;
	s4 =	sadd.s32 s5, s19  }
0x9d: {  	s8 =	simm.s32 $0x0;
	s20 =	sshll.u32 s6, $0x1;
	s6 =	sadd.s32 s21, s4  }
0x9e: {  	[timem:s8], [sflag:s22] =	dma.local [hbm:s6], s20  }
0x9f: {  	_ =	swait.ge [sflag:s22], s20  }
0xa0: {  	s5 =	ssub.s32 $0x0, s20;
	[sflag:s22] =	ssyncset.done $0x0  }
0xa1: {  	[sflag:s22] =	ssyncadd.s32 s5;
	_ =	sdelay $0x1  }
0xa2: {  	s23 =	simm.s32 $0x1B8B  }
0xa3: {  	_ =	swait.ge [sflag:s23], $0x1  }
0xa4: {  	[sflag:s23] =	ssyncset.done $0x0  }
0xa5: {  	s25 =	simm.s32 $0x1B8E;
	s24 =	sld [smem:$0x3FFE];
	[sflag:s23] =	ssyncadd.s32 $0xFFFFFFFF  }
0xa6: {  	s26 =	simm.s32 $execute0_lowered;
	[smem:$0x3FD2] =	sst s25  }
0xa7: {  	s6 =	sshll.u32 s26, $0x1;
	_ =	strace $0x80000046;
	[dreg:$0x1] =	wrdreg $0xFFFFFFFF  }
0xa8: {  	s28 =	simm.s32 $_size_execute0_lowered;
	s4 =	sadd.s32 s4, s6;
	[dreg:$0x0] =	wrdreg $0x0  }
0xa9: {  	s6 =	sshll.u32 s28, $0x1;
	[dreg:$0x2] =	wrdreg s4  }
0xaa: {  	[dreg:$0x3] =	wrdreg s6  }
0xab: {  	[dreg:$0x4] =	wrdreg $0xC0  }
0xac: {  	_ =	task [dreg:s8], $0x5FFFF  }
0xad: {  	[dreg:$0x1] =	wrdreg $0xFFFFFFFF  }
0xae: {  	[dreg:$0x0] =	wrdreg $0x60  }
0xaf: {  	[dreg:$0x2] =	wrdreg s2  }
0xb0: {  	[dreg:$0x3] =	wrdreg s18  }
0xb1: {  	[dreg:$0x4] =	wrdreg s24  }
0xb2: {  	[dreg:$0x5] =	wrdreg $0x9  }
0xb3: {  	_ =	task.clear_ibuf [dreg:s8], $0x6FFFF;
	_ =	strace $0x90000046  }
0xb4: {  	s29 =	simm.s32 $0x9;
	_ =	strace $0x80000048  }
0xb5: {  	_ =	swait.ge [sflag:s29], $0x1  }
0xb6: {  	[sflag:s29] =	ssyncadd.s32 $0xFFFFFFFF  }
0xb7: {  	_ =	strace $0x90000048  }
0xb8: {  	_ =	sfence  }
0xb9: {  	s30 =	sld [smem:$0x0];
	_ =	sdelay $0x2  }
0xba: {  	s31 =	sshll.u32 s1, $0xD;
	s1 =	sshrl.u32 s1, $0x2  }
0xbb: {  	s3 =	sand.u32 $0x4000, s31;
	s1 =	sadd.s32 s1, s30  }
0xbc: {  	s0 =	sor.u32 s3, s0;
	s1 =	sshll.u32 s1, $0x11  }
0xbd: {  	s0 =	sor.u32 s1, s0  }
0xbe: {  	s0 =	sadd.s32 $0x8F2B, s0  }
0xbf: {  	[sflag:s0] =	ssyncadd.remote.s32 $0x1  }
0xc0: {  	_ =	sfence.sel $0xFFFF  }
0xc1: {  	[dreg:$0x0] =	wrdreg $0xFFFFFFFF;
	(pc) =	sbr.abs _section_cstart, $3  }
0xc2: {  	[dreg:$0x1] =	wrdreg $0xFFFFFFFF  }
0xc3: {  	_ =	task.clear_ibuf [dreg:s8], $0x2FFFF;
	_ =	strace $0x9FFFFFFF  }
0xc4: {  	(tm) =	ssettm $0x7FFFFFFF  }
0xc5: {  	_ =	shalt  }
tec
execute0_lowered:
.L_overlay_start_1:
0x0: {  	(tag) =	ssettag $0x1  }
0x1: {  	s1 =	rddreg [dreg:$0x0]  }
0x2: {  	s3 =	rddreg [dreg:$0x1];
	s2 =	srdreg.scid  }
0x3: {  	s0 =	stileid.u32;
	s5 =	rddreg [dreg:$0x2]  }
0x4: {  	s4 =	simm.s32 $0x0;
	s12 =	simm.s32 $0x9C80;
	s13 =	simm.s32 $0x9D00  }
0x5: {  	v0 =	vlaneseq.u32;
	s14 =	simm.s32 $0x50;
	s15 =	simm.s32 $0x9D80;
	s16 =	simm.s32 $0xC580  }
0x6: {  	s17 =	simm.s32 $0xED80;
	s18 =	simm.s32 $0x1;
	s7 =	smul.u32 $0x4E20, s0;
	v0 =	vmul.u32 $0x8, v0  }
0x7: {  	s6 =	sand.u32 $0x1, s2;
	s2 =	rddreg [dreg:$0x3];
	s29 =	smul.u32 $0x4E200, s0  }
0x8: {  	s19 =	simm.s32 $0x0;
	[smem:$0x7FF] =	sst s4;
	s8 =	smul.u32 $0x2710, s6;
	v1 =	vor.u32 $0x1, v0  }
0x9: {  	_ =	strace $0x80000047;
	s10 =	ssub.s32 $0x2, s6;
	s6 =	smul.u32 $0x27100, s6;
	v2 =	vor.u32 $0x2, v0;
	v4 =	vor.u32 $0x80, v0;
	v5 =	vor.u32 $0x81, v0  }
0xa: {  	s30 =	sshrl.u32 s10, $0x1;
	v6 =	vor.u32 $0x82, v0;
	v7 =	vor.u32 $0x83, v0;
	v8 =	vor.u32 $0x100, v0;
	s7 =	sadd.s32 s8, s7;
	s8 =	sadd.s32 s29, s5  }
0xb: {  	v9 =	vor.u32 $0x101, v0;
	v10 =	vor.u32 $0x102, v0;
	v11 =	vor.u32 $0x103, v0;
	s31 =	ssub.s32 s10, s30;
	s9 =	sshrl.u32 s7, $0x3;
	s7 =	sadd.s32 s7, s5  }
0xc: {  	v12 =	vor.u32 $0x180, v0;
	v13 =	vor.u32 $0x181, v0;
	v14 =	vor.u32 $0x182, v0;
	s8 =	sadd.s32 s6, s8;
	s11 =	sadd.s32 s9, s5;
	s5 =	smax.u32 s31, $0x1  }
0xd: {  	v3 =	vor.u32 $0x3, v0;
	v15 =	vor.u32 $0x183, v0;
	v16 =	vor.u32 $0x200, v0;
	s6 =	sadd.s32 $0x15400, s7;
	s7 =	sadd.s32 $0x545600, s8;
	s8 =	sadd.s32 $0x63600, s8  }
0xe: {  	v17 =	vor.u32 $0x201, v0;
	v18 =	vor.u32 $0x202, v0;
	v19 =	vor.u32 $0x203, v0;
	s9 =	sadd.s32 $0xB600, s11;
	s10 =	sadd.s32 $0x1800, s11;
	s11 =	simm.s32 $0x2  }
.LBB2_1:
0xf: {  	[tilespmem:s4], [sflag:$0x2] =	stream.linear.gather [hbm4b:s3+s4], $0x9C80, $0x38;
	[tilespmem:$0xF000] =	vst v63  }
0x10: {  	_ =	swait.ge [sflag:s11], $0x9C80  }
0x11: {  	s20 =	smov.u32 s7;
	s21 =	smov.u32 s8;
	[sflag:s11] =	ssyncset.done $0x0  }
0x12: {  	s22 =	smov.u32 s6;
	s23 =	simm.s32 $0x0;
	[sflag:s11] =	ssyncadd.s32 $0xFFFF6380  }
.LBB2_2:
0x13: {  	s24 =	sadd.s32 s23, s10  }
0x14: {  	[tilespmem:s12], [sflag:$0x2] =	stream.linear.gather [hbm4b:s24+s4], $0x50, $0x38;
	[tilespmem:$0xF000] =	vst v63  }
0x15: {  	_ =	swait.ge [sflag:s11], $0x50  }
0x16: {  	[sflag:s11] =	ssyncset.done $0x0  }
0x17: {  	s31 =	sadd.s32 s23, s9;
	[sflag:s11] =	ssyncadd.s32 $0xFFFFFFB0  }
0x18: {  	[tilespmem:s13], [sflag:$0x2] =	stream.linear.gather [hbm4b:s31+s4], $0x50, $0x38;
	[tilespmem:$0xF000] =	vst v63  }
0x19: {  	_ =	swait.ge [sflag:s11], $0x50  }
0x1a: {  	[sflag:s11] =	ssyncset.done $0x0  }
0x1b: {  	[sflag:s11] =	ssyncadd.s32 $0xFFFFFFB0  }
0x1c: {  	[tilespmem:s15], [sflag:$0x1] =	stream.indirect.gather [hbm4b:s1+s14], $0x80, s12, s14, $0xb8;
	[tilespmem:$0xF000] =	vst v63  }
0x1d: {  	_ = 	snop  }
0x1e: {  	[tilespmem:s16], [sflag:$0x1] =	stream.indirect.gather [hbm4b:s1+s14], $0x80, s13, s14, $0xb8;
	[tilespmem:$0xF000] =	vst v63  }
0x1f: {  	v20 =	vld [tilespmem:$0x9C80]  }
0x20: {  	v21 =	vld [tilespmem:$0x9D00];
	_ =	sdelay $0x3  }
0x21: {  	v20 =	vshll.u32 v20, $0x2  }
0x22: {  	v21 =	vshll.u32 v21, $0x2  }
0x23: {  	v22 =	vor.u32 $0x1, v20  }
0x24: {  	v23 =	vor.u32 $0x1, v21  }
0x25: {  	v24 =	vor.u32 $0x2, v20  }
0x26: {  	v25 =	vor.u32 $0x2, v21;
	v20 =	vld.idx.msk [tilespmem:v20+s4+$0x0], $0xffff  }
0x27: {  	v21 =	vld.idx.msk [tilespmem:v21+s4+$0x0], $0xffff  }
0x28: {  	v22 =	vld.idx.msk [tilespmem:v22+s4+$0x0], $0xffff  }
0x29: {  	v23 =	vld.idx.msk [tilespmem:v23+s4+$0x0], $0xffff  }
0x2a: {  	v24 =	vld.idx.msk [tilespmem:v24+s4+$0x0], $0xffff  }
0x2b: {  	v25 =	vld.idx.msk [tilespmem:v25+s4+$0x0], $0xffff;
	_ =	sdelay $0x2  }
0x2c: {  	v20 =	vsub.f32 v20, v21;
	v30 =	vsub.f32 v22, v23;
	_ =	sdelay $0x1  }
0x2d: {  	v31 =	vsub.f32 v24, v25;
	v32 =	vmul.f32 v20, v20;
	v33 =	vmul.f32 v30, v30;
	_ =	sdelay $0x1  }
0x2e: {  	v34 =	vmul.f32 v31, v31;
	v23 =	vadd.f32 v33, v32;
	_ =	sdelay $0x1  }
0x2f: {  	v23 =	vadd.f32 v34, v23;
	_ =	sdelay $0x1  }
0x30: {  	v24 =	vshra.s32 v23, $0x1;
	v35 =	vmul.f32 $5.000000000e-01, v23  }
0x31: {  	v24 =	vsub.s32 $0x5F3759DF, v24  }
0x32: {  	v26 =	vmul.f32 v24, v35;
	_ =	sdelay $0x1  }
0x33: {  	v26 =	vmul.f32 v24, v26;
	_ =	sdelay $0x1  }
0x34: {  	v26 =	vsub.f32 $1.500000000e+00, v26;
	_ =	sdelay $0x1  }
0x35: {  	v24 =	vmul.f32 v24, v26;
	_ =	sdelay $0x1  }
0x36: {  	v26 =	vmul.f32 v24, v35;
	_ =	sdelay $0x1  }
0x37: {  	v26 =	vmul.f32 v26, v24;
	_ =	sdelay $0x1  }
0x38: {  	v26 =	vsub.f32 $1.500000000e+00, v26;
	_ =	sdelay $0x1  }
0x39: {  	v24 =	vmul.f32 v26, v24;
	_ =	sdelay $0x1  }
0x3a: {  	v25 =	vmul.f32 v24, v35;
	_ =	sdelay $0x1  }
0x3b: {  	v25 =	vmul.f32 v25, v24;
	_ =	sdelay $0x1  }
0x3c: {  	v25 =	vsub.f32 $1.500000000e+00, v25;
	_ =	sdelay $0x1  }
0x3d: {  	v24 =	vmul.f32 v25, v24;
	_ =	sdelay $0x1  }
0x3e: {  	v23 =	vmul.f32 v24, v23;
	_ =	sdelay $0x1  }
0x3f: {  	v24 =	vmul.f32 $2.222222240e-01, v23;
	_ =	sdelay $0x1  }
0x40: {  	v36 =	vmul.f32 v24, v24;
	_ =	sdelay $0x1  }
0x41: {  	v37 =	vadd.f32 $9.999999930e-09, v23;
	v25 =	vmul.f32 v36, v36;
	_ =	sdelay $0x1  }
0x42: {  	(erf) = vrcp.f32 v37;
	v25 =	vmul.f32 v25, v24;
	_ =	sdelay $0x1  }
0x43: {  	v38 =	vmul.f32 v25, v24;
	v25 =	vmul.f32 $2.100000000e+01, v25;
	_ =	sdelay $0x1  }
0x44: {  	v24 =	vmul.f32 v38, v24;
	v25 =	vsub.f32 $1.000000000e+00, v25;
	v26 =	vmul.f32 $3.500000000e+01, v38;
	_ =	sdelay $0x1  }
0x45: {  	v25 =	vadd.f32 v26, v25;
	v24 =	vmul.f32 $1.500000000e+01, v24;
	_ =	sdelay $0x1  }
0x46: {  	v24 =	vsub.f32 v25, v24  }
0x47: {  	v39 =	vpop (erf)  }
0x48: {  	v24 =	vmul.f32 v24, v39;
	_ =	sdelay $0x1  }
0x49: {  	v20 =	vmul.f32 v24, v20  }
0x4a: {  	[tilespmem:v0+s17+$0x0] =	vst.idx.msk $0xffff, v23;
	v21 =	vmul.f32 v24, v30  }
0x4b: {  	[tilespmem:v1+s17+$0x0] =	vst.idx.msk $0xffff, v20;
	v20 =	vmul.f32 v24, v31  }
0x4c: {  	[tilespmem:v2+s17+$0x0] =	vst.idx.msk $0xffff, v21  }
0x4d: {  	[tilespmem:v3+s17+$0x0] =	vst.idx.msk $0xffff, v20  }
0x4e: {  	v20 =	vld [tilespmem:$0x9C90]  }
0x4f: {  	v21 =	vld [tilespmem:$0x9D10];
	_ =	sdelay $0x3  }
0x50: {  	v20 =	vshll.u32 v20, $0x2  }
0x51: {  	v21 =	vshll.u32 v21, $0x2  }
0x52: {  	v40 =	vor.u32 $0x1, v20  }
0x53: {  	v41 =	vor.u32 $0x1, v21  }
0x54: {  	v42 =	vor.u32 $0x2, v20  }
0x55: {  	v43 =	vor.u32 $0x2, v21;
	v20 =	vld.idx.msk [tilespmem:v20+s4+$0x0], $0xffff  }
0x56: {  	v21 =	vld.idx.msk [tilespmem:v21+s4+$0x0], $0xffff  }
0x57: {  	v22 =	vld.idx.msk [tilespmem:v40+s4+$0x0], $0xffff  }
0x58: {  	v23 =	vld.idx.msk [tilespmem:v41+s4+$0x0], $0xffff  }
0x59: {  	v24 =	vld.idx.msk [tilespmem:v42+s4+$0x0], $0xffff  }
0x5a: {  	v25 =	vld.idx.msk [tilespmem:v43+s4+$0x0], $0xffff;
	_ =	sdelay $0x2  }
0x5b: {  	v20 =	vsub.f32 v20, v21;
	v44 =	vsub.f32 v22, v23;
	_ =	sdelay $0x1  }
0x5c: {  	v45 =	vsub.f32 v24, v25;
	v46 =	vmul.f32 v20, v20;
	v47 =	vmul.f32 v44, v44;
	_ =	sdelay $0x1  }
0x5d: {  	v48 =	vmul.f32 v45, v45;
	v23 =	vadd.f32 v47, v46;
	_ =	sdelay $0x1  }
0x5e: {  	v23 =	vadd.f32 v48, v23;
	_ =	sdelay $0x1  }
0x5f: {  	v24 =	vshra.s32 v23, $0x1;
	v49 =	vmul.f32 $5.000000000e-01, v23  }
0x60: {  	v24 =	vsub.s32 $0x5F3759DF, v24  }
0x61: {  	v50 =	vmul.f32 v24, v49;
	_ =	sdelay $0x1  }
0x62: {  	v26 =	vmul.f32 v24, v50;
	_ =	sdelay $0x1  }
0x63: {  	v26 =	vsub.f32 $1.500000000e+00, v26;
	_ =	sdelay $0x1  }
0x64: {  	v24 =	vmul.f32 v24, v26;
	_ =	sdelay $0x1  }
0x65: {  	v26 =	vmul.f32 v24, v49;
	_ =	sdelay $0x1  }
0x66: {  	v26 =	vmul.f32 v26, v24;
	_ =	sdelay $0x1  }
0x67: {  	v26 =	vsub.f32 $1.500000000e+00, v26;
	_ =	sdelay $0x1  }
0x68: {  	v24 =	vmul.f32 v26, v24;
	_ =	sdelay $0x1  }
0x69: {  	v25 =	vmul.f32 v24, v49;
	_ =	sdelay $0x1  }
0x6a: {  	v25 =	vmul.f32 v25, v24;
	_ =	sdelay $0x1  }
0x6b: {  	v25 =	vsub.f32 $1.500000000e+00, v25;
	_ =	sdelay $0x1  }
0x6c: {  	v24 =	vmul.f32 v25, v24;
	_ =	sdelay $0x1  }
0x6d: {  	v23 =	vmul.f32 v24, v23;
	_ =	sdelay $0x1  }
0x6e: {  	v24 =	vmul.f32 $2.222222240e-01, v23;
	_ =	sdelay $0x1  }
0x6f: {  	v51 =	vmul.f32 v24, v24;
	_ =	sdelay $0x1  }
0x70: {  	v52 =	vadd.f32 $9.999999930e-09, v23;
	v25 =	vmul.f32 v51, v51;
	_ =	sdelay $0x1  }
0x71: {  	(erf) = vrcp.f32 v52;
	v25 =	vmul.f32 v25, v24;
	_ =	sdelay $0x1  }
0x72: {  	v53 =	vmul.f32 v25, v24;
	v25 =	vmul.f32 $2.100000000e+01, v25;
	_ =	sdelay $0x1  }
0x73: {  	v24 =	vmul.f32 v53, v24;
	v25 =	vsub.f32 $1.000000000e+00, v25;
	v26 =	vmul.f32 $3.500000000e+01, v53;
	_ =	sdelay $0x1  }
0x74: {  	v25 =	vadd.f32 v26, v25;
	v24 =	vmul.f32 $1.500000000e+01, v24;
	_ =	sdelay $0x1  }
0x75: {  	v24 =	vsub.f32 v25, v24  }
0x76: {  	v54 =	vpop (erf)  }
0x77: {  	v24 =	vmul.f32 v24, v54;
	_ =	sdelay $0x1  }
0x78: {  	v20 =	vmul.f32 v24, v20  }
0x79: {  	[tilespmem:v4+s17+$0x0] =	vst.idx.msk $0xffff, v23;
	v21 =	vmul.f32 v24, v44  }
0x7a: {  	[tilespmem:v5+s17+$0x0] =	vst.idx.msk $0xffff, v20;
	v20 =	vmul.f32 v24, v45  }
0x7b: {  	[tilespmem:v6+s17+$0x0] =	vst.idx.msk $0xffff, v21  }
0x7c: {  	[tilespmem:v7+s17+$0x0] =	vst.idx.msk $0xffff, v20  }
0x7d: {  	v20 =	vld [tilespmem:$0x9CA0]  }
0x7e: {  	v21 =	vld [tilespmem:$0x9D20];
	_ =	sdelay $0x3  }
0x7f: {  	v20 =	vshll.u32 v20, $0x2  }
0x80: {  	v21 =	vshll.u32 v21, $0x2  }
0x81: {  	v55 =	vor.u32 $0x1, v20  }
0x82: {  	v56 =	vor.u32 $0x1, v21  }
0x83: {  	v57 =	vor.u32 $0x2, v20  }
0x84: {  	v58 =	vor.u32 $0x2, v21;
	v20 =	vld.idx.msk [tilespmem:v20+s4+$0x0], $0xffff  }
0x85: {  	v21 =	vld.idx.msk [tilespmem:v21+s4+$0x0], $0xffff  }
0x86: {  	v22 =	vld.idx.msk [tilespmem:v55+s4+$0x0], $0xffff  }
0x87: {  	v23 =	vld.idx.msk [tilespmem:v56+s4+$0x0], $0xffff  }
0x88: {  	v24 =	vld.idx.msk [tilespmem:v57+s4+$0x0], $0xffff  }
0x89: {  	v25 =	vld.idx.msk [tilespmem:v58+s4+$0x0], $0xffff;
	_ =	sdelay $0x2  }
0x8a: {  	v20 =	vsub.f32 v20, v21;
	v59 =	vsub.f32 v22, v23;
	_ =	sdelay $0x1  }
0x8b: {  	v60 =	vsub.f32 v24, v25;
	v61 =	vmul.f32 v20, v20;
	v62 =	vmul.f32 v59, v59;
	_ =	sdelay $0x1  }
0x8c: {  	v63 =	vmul.f32 v60, v60;
	v23 =	vadd.f32 v62, v61;
	_ =	sdelay $0x1  }
0x8d: {  	v23 =	vadd.f32 v63, v23;
	_ =	sdelay $0x1  }
0x8e: {  	v24 =	vshra.s32 v23, $0x1;
	v28 =	vmul.f32 $5.000000000e-01, v23  }
0x8f: {  	v24 =	vsub.s32 $0x5F3759DF, v24  }
0x90: {  	v29 =	vmul.f32 v24, v28;
	_ =	sdelay $0x1  }
0x91: {  	v26 =	vmul.f32 v24, v29;
	_ =	sdelay $0x1  }
0x92: {  	v26 =	vsub.f32 $1.500000000e+00, v26;
	_ =	sdelay $0x1  }
0x93: {  	v24 =	vmul.f32 v24, v26;
	_ =	sdelay $0x1  }
0x94: {  	v26 =	vmul.f32 v24, v28;
	_ =	sdelay $0x1  }
0x95: {  	v26 =	vmul.f32 v26, v24;
	_ =	sdelay $0x1  }
0x96: {  	v26 =	vsub.f32 $1.500000000e+00, v26;
	_ =	sdelay $0x1  }
0x97: {  	v24 =	vmul.f32 v26, v24;
	_ =	sdelay $0x1  }
0x98: {  	v25 =	vmul.f32 v24, v28;
	_ =	sdelay $0x1  }
0x99: {  	v25 =	vmul.f32 v25, v24;
	_ =	sdelay $0x1  }
0x9a: {  	v25 =	vsub.f32 $1.500000000e+00, v25;
	_ =	sdelay $0x1  }
0x9b: {  	v24 =	vmul.f32 v25, v24;
	_ =	sdelay $0x1  }
0x9c: {  	v23 =	vmul.f32 v24, v23;
	_ =	sdelay $0x1  }
0x9d: {  	v24 =	vmul.f32 $2.222222240e-01, v23;
	_ =	sdelay $0x1  }
0x9e: {  	v30 =	vmul.f32 v24, v24;
	_ =	sdelay $0x1  }
0x9f: {  	v31 =	vadd.f32 $9.999999930e-09, v23;
	v25 =	vmul.f32 v30, v30;
	_ =	sdelay $0x1  }
0xa0: {  	(erf) = vrcp.f32 v31;
	v25 =	vmul.f32 v25, v24;
	_ =	sdelay $0x1  }
0xa1: {  	v32 =	vmul.f32 v25, v24;
	v25 =	vmul.f32 $2.100000000e+01, v25;
	_ =	sdelay $0x1  }
0xa2: {  	v24 =	vmul.f32 v32, v24;
	v25 =	vsub.f32 $1.000000000e+00, v25;
	v26 =	vmul.f32 $3.500000000e+01, v32;
	_ =	sdelay $0x1  }
0xa3: {  	v25 =	vadd.f32 v26, v25;
	v24 =	vmul.f32 $1.500000000e+01, v24;
	_ =	sdelay $0x1  }
0xa4: {  	v24 =	vsub.f32 v25, v24  }
0xa5: {  	v33 =	vpop (erf)  }
0xa6: {  	v24 =	vmul.f32 v24, v33;
	_ =	sdelay $0x1  }
0xa7: {  	v20 =	vmul.f32 v24, v20  }
0xa8: {  	[tilespmem:v8+s17+$0x0] =	vst.idx.msk $0xffff, v23;
	v21 =	vmul.f32 v24, v59  }
0xa9: {  	[tilespmem:v9+s17+$0x0] =	vst.idx.msk $0xffff, v20;
	v20 =	vmul.f32 v24, v60  }
0xaa: {  	[tilespmem:v10+s17+$0x0] =	vst.idx.msk $0xffff, v21  }
0xab: {  	[tilespmem:v11+s17+$0x0] =	vst.idx.msk $0xffff, v20  }
0xac: {  	v20 =	vld [tilespmem:$0x9CB0]  }
0xad: {  	v21 =	vld [tilespmem:$0x9D30];
	_ =	sdelay $0x3  }
0xae: {  	v20 =	vshll.u32 v20, $0x2  }
0xaf: {  	v21 =	vshll.u32 v21, $0x2  }
0xb0: {  	v34 =	vor.u32 $0x1, v20  }
0xb1: {  	v35 =	vor.u32 $0x1, v21  }
0xb2: {  	v36 =	vor.u32 $0x2, v20  }
0xb3: {  	v37 =	vor.u32 $0x2, v21;
	v20 =	vld.idx.msk [tilespmem:v20+s4+$0x0], $0xffff  }
0xb4: {  	v21 =	vld.idx.msk [tilespmem:v21+s4+$0x0], $0xffff  }
0xb5: {  	v22 =	vld.idx.msk [tilespmem:v34+s4+$0x0], $0xffff  }
0xb6: {  	v23 =	vld.idx.msk [tilespmem:v35+s4+$0x0], $0xffff  }
0xb7: {  	v24 =	vld.idx.msk [tilespmem:v36+s4+$0x0], $0xffff  }
0xb8: {  	v25 =	vld.idx.msk [tilespmem:v37+s4+$0x0], $0xffff;
	_ =	sdelay $0x2  }
0xb9: {  	v20 =	vsub.f32 v20, v21;
	v38 =	vsub.f32 v22, v23;
	_ =	sdelay $0x1  }
0xba: {  	v39 =	vsub.f32 v24, v25;
	v40 =	vmul.f32 v20, v20;
	v41 =	vmul.f32 v38, v38;
	_ =	sdelay $0x1  }
0xbb: {  	v42 =	vmul.f32 v39, v39;
	v23 =	vadd.f32 v41, v40;
	_ =	sdelay $0x1  }
0xbc: {  	v23 =	vadd.f32 v42, v23;
	_ =	sdelay $0x1  }
0xbd: {  	v24 =	vshra.s32 v23, $0x1;
	v43 =	vmul.f32 $5.000000000e-01, v23  }
0xbe: {  	v24 =	vsub.s32 $0x5F3759DF, v24  }
0xbf: {  	v44 =	vmul.f32 v24, v43;
	_ =	sdelay $0x1  }
0xc0: {  	v26 =	vmul.f32 v24, v44;
	_ =	sdelay $0x1  }
0xc1: {  	v26 =	vsub.f32 $1.500000000e+00, v26;
	_ =	sdelay $0x1  }
0xc2: {  	v24 =	vmul.f32 v24, v26;
	_ =	sdelay $0x1  }
0xc3: {  	v26 =	vmul.f32 v24, v43;
	_ =	sdelay $0x1  }
0xc4: {  	v26 =	vmul.f32 v26, v24;
	_ =	sdelay $0x1  }
0xc5: {  	v26 =	vsub.f32 $1.500000000e+00, v26;
	_ =	sdelay $0x1  }
0xc6: {  	v24 =	vmul.f32 v26, v24;
	_ =	sdelay $0x1  }
0xc7: {  	v25 =	vmul.f32 v24, v43;
	_ =	sdelay $0x1  }
0xc8: {  	v25 =	vmul.f32 v25, v24;
	_ =	sdelay $0x1  }
0xc9: {  	v25 =	vsub.f32 $1.500000000e+00, v25;
	_ =	sdelay $0x1  }
0xca: {  	v24 =	vmul.f32 v25, v24;
	_ =	sdelay $0x1  }
0xcb: {  	v23 =	vmul.f32 v24, v23;
	_ =	sdelay $0x1  }
0xcc: {  	v24 =	vmul.f32 $2.222222240e-01, v23;
	_ =	sdelay $0x1  }
0xcd: {  	v45 =	vmul.f32 v24, v24;
	_ =	sdelay $0x1  }
0xce: {  	v46 =	vadd.f32 $9.999999930e-09, v23;
	v25 =	vmul.f32 v45, v45;
	_ =	sdelay $0x1  }
0xcf: {  	(erf) = vrcp.f32 v46;
	v25 =	vmul.f32 v25, v24;
	_ =	sdelay $0x1  }
0xd0: {  	v47 =	vmul.f32 v25, v24;
	v25 =	vmul.f32 $2.100000000e+01, v25;
	_ =	sdelay $0x1  }
0xd1: {  	v24 =	vmul.f32 v47, v24;
	v25 =	vsub.f32 $1.000000000e+00, v25;
	v26 =	vmul.f32 $3.500000000e+01, v47;
	_ =	sdelay $0x1  }
0xd2: {  	v25 =	vadd.f32 v26, v25;
	v24 =	vmul.f32 $1.500000000e+01, v24;
	_ =	sdelay $0x1  }
0xd3: {  	v24 =	vsub.f32 v25, v24  }
0xd4: {  	v48 =	vpop (erf)  }
0xd5: {  	v24 =	vmul.f32 v24, v48;
	_ =	sdelay $0x1  }
0xd6: {  	v20 =	vmul.f32 v24, v20  }
0xd7: {  	[tilespmem:v12+s17+$0x0] =	vst.idx.msk $0xffff, v23;
	v21 =	vmul.f32 v24, v38  }
0xd8: {  	[tilespmem:v13+s17+$0x0] =	vst.idx.msk $0xffff, v20;
	v20 =	vmul.f32 v24, v39  }
0xd9: {  	[tilespmem:v14+s17+$0x0] =	vst.idx.msk $0xffff, v21  }
0xda: {  	[tilespmem:v15+s17+$0x0] =	vst.idx.msk $0xffff, v20  }
0xdb: {  	v20 =	vld [tilespmem:$0x9CC0]  }
0xdc: {  	v21 =	vld [tilespmem:$0x9D40];
	_ =	sdelay $0x3  }
0xdd: {  	v20 =	vshll.u32 v20, $0x2  }
0xde: {  	v21 =	vshll.u32 v21, $0x2  }
0xdf: {  	v49 =	vor.u32 $0x1, v20  }
0xe0: {  	v50 =	vor.u32 $0x1, v21  }
0xe1: {  	v51 =	vor.u32 $0x2, v20  }
0xe2: {  	v52 =	vor.u32 $0x2, v21;
	v20 =	vld.idx.msk [tilespmem:v20+s4+$0x0], $0xffff  }
0xe3: {  	v21 =	vld.idx.msk [tilespmem:v21+s4+$0x0], $0xffff  }
0xe4: {  	v22 =	vld.idx.msk [tilespmem:v49+s4+$0x0], $0xffff  }
0xe5: {  	v23 =	vld.idx.msk [tilespmem:v50+s4+$0x0], $0xffff  }
0xe6: {  	v24 =	vld.idx.msk [tilespmem:v51+s4+$0x0], $0xffff  }
0xe7: {  	v25 =	vld.idx.msk [tilespmem:v52+s4+$0x0], $0xffff;
	_ =	sdelay $0x2  }
0xe8: {  	v20 =	vsub.f32 v20, v21;
	v53 =	vsub.f32 v22, v23;
	_ =	sdelay $0x1  }
0xe9: {  	v54 =	vsub.f32 v24, v25;
	v55 =	vmul.f32 v20, v20;
	v56 =	vmul.f32 v53, v53;
	_ =	sdelay $0x1  }
0xea: {  	v57 =	vmul.f32 v54, v54;
	v23 =	vadd.f32 v56, v55;
	_ =	sdelay $0x1  }
0xeb: {  	v23 =	vadd.f32 v57, v23;
	_ =	sdelay $0x1  }
0xec: {  	v24 =	vshra.s32 v23, $0x1;
	v58 =	vmul.f32 $5.000000000e-01, v23  }
0xed: {  	v24 =	vsub.s32 $0x5F3759DF, v24  }
0xee: {  	v59 =	vmul.f32 v24, v58;
	_ =	sdelay $0x1  }
0xef: {  	v26 =	vmul.f32 v24, v59;
	_ =	sdelay $0x1  }
0xf0: {  	v26 =	vsub.f32 $1.500000000e+00, v26;
	_ =	sdelay $0x1  }
0xf1: {  	v24 =	vmul.f32 v24, v26;
	_ =	sdelay $0x1  }
0xf2: {  	v26 =	vmul.f32 v24, v58;
	_ =	sdelay $0x1  }
0xf3: {  	v26 =	vmul.f32 v26, v24;
	_ =	sdelay $0x1  }
0xf4: {  	v26 =	vsub.f32 $1.500000000e+00, v26;
	_ =	sdelay $0x1  }
0xf5: {  	v24 =	vmul.f32 v26, v24;
	_ =	sdelay $0x1  }
0xf6: {  	v25 =	vmul.f32 v24, v58;
	_ =	sdelay $0x1  }
0xf7: {  	v25 =	vmul.f32 v25, v24;
	_ =	sdelay $0x1  }
0xf8: {  	v25 =	vsub.f32 $1.500000000e+00, v25;
	_ =	sdelay $0x1  }
0xf9: {  	v24 =	vmul.f32 v25, v24;
	_ =	sdelay $0x1  }
0xfa: {  	v23 =	vmul.f32 v24, v23;
	_ =	sdelay $0x1  }
0xfb: {  	v24 =	vmul.f32 $2.222222240e-01, v23;
	_ =	sdelay $0x1  }
0xfc: {  	v60 =	vmul.f32 v24, v24;
	_ =	sdelay $0x1  }
0xfd: {  	v61 =	vadd.f32 $9.999999930e-09, v23;
	v25 =	vmul.f32 v60, v60;
	_ =	sdelay $0x1  }
0xfe: {  	(erf) = vrcp.f32 v61;
	v25 =	vmul.f32 v25, v24;
	_ =	sdelay $0x1  }
0xff: {  	v62 =	vmul.f32 v25, v24;
	v25 =	vmul.f32 $2.100000000e+01, v25;
	_ =	sdelay $0x1  }
0x100: {  	v24 =	vmul.f32 v62, v24;
	v25 =	vsub.f32 $1.000000000e+00, v25;
	v26 =	vmul.f32 $3.500000000e+01, v62;
	_ =	sdelay $0x1  }
0x101: {  	v25 =	vadd.f32 v26, v25;
	v24 =	vmul.f32 $1.500000000e+01, v24;
	_ =	sdelay $0x1  }
0x102: {  	v24 =	vsub.f32 v25, v24  }
0x103: {  	v63 =	vpop (erf)  }
0x104: {  	v24 =	vmul.f32 v24, v63;
	_ =	sdelay $0x1  }
0x105: {  	v20 =	vmul.f32 v24, v20  }
0x106: {  	[tilespmem:v16+s17+$0x0] =	vst.idx.msk $0xffff, v23;
	v21 =	vmul.f32 v24, v53  }
0x107: {  	[tilespmem:v17+s17+$0x0] =	vst.idx.msk $0xffff, v20;
	v20 =	vmul.f32 v24, v54  }
0x108: {  	[tilespmem:v18+s17+$0x0] =	vst.idx.msk $0xffff, v21  }
0x109: {  	[tilespmem:v19+s17+$0x0] =	vst.idx.msk $0xffff, v20  }
0x10a: {  	_ =	swait.ge [sflag:s18], $0x2800  }
0x10b: {  	[sflag:s18] =	ssyncset.done $0x0  }
0x10c: {  	[sflag:s18] =	ssyncadd.s32 $0xFFFFD800  }
0x10d: {  	_ =	swait.ge [sflag:s18], $0x2800  }
0x10e: {  	[sflag:s18] =	ssyncset.done $0x0  }
0x10f: {  	[sflag:s18] =	ssyncadd.s32 $0xFFFFD800  }
0x110: {  	[hbm4b:s21+s4] =	stream.linear.scatter [tilespmem:s15], [sflag:$0x2], $0x2800, $0x38;
	[tilespmem:$0xF000] =	vst v63  }
0x111: {  	_ =	swait.ge [sflag:s11], $0x2800  }
0x112: {  	[sflag:s11] =	ssyncset.done $0x0  }
0x113: {  	[sflag:s11] =	ssyncadd.s32 $0xFFFFD800  }
0x114: {  	[hbm4b:s20+s4] =	stream.linear.scatter [tilespmem:s16], [sflag:$0x2], $0x2800, $0x38;
	[tilespmem:$0xF000] =	vst v63  }
0x115: {  	_ =	swait.ge [sflag:s11], $0x2800  }
0x116: {  	p0 =	sne.s32 s23, $0x4D8;
	[sflag:s11] =	ssyncset.done $0x0  }
.Ltmp0:
0x117: {  	[sflag:s11] =	ssyncadd.s32 $0xFFFFD800;
	(pc) =	sbr.rel @p0 .LBB2_2-.Ltmp0, $4  }
0x118: {  	[hbm4b:s22+s4] =	stream.linear.scatter [tilespmem:s17], [sflag:$0x2], $0x280, $0x38;
	[tilespmem:$0xF000] =	vst v63  }
0x119: {  	_ =	swait.ge [sflag:s11], $0x280  }
0x11a: {  	s23 =	sadd.s32 $0xA, s23;
	s21 =	sadd.s32 $0x500, s21;
	[sflag:s11] =	ssyncset.done $0x0  }
0x11b: {  	s20 =	sadd.s32 $0x500, s20;
	s22 =	sadd.s32 $0x50, s22;
	[sflag:s11] =	ssyncadd.s32 $0xFFFFFD80  }
0x11c: {  	s19 =	sadd.s32 $0x1, s19  }
0x11d: {  	p0 =	sne.s32 s19, s5  }
.Ltmp1:
0x11e: {  	_ = 	snop;
	(pc) =	sbr.rel @p0 .LBB2_1-.Ltmp1, $1  }
0x11f: {  	_ =	sdelay $0x3  }
0x120: {  	_ =	sfence.sel $0x180000  }
0x121: {  	[bflag:$0x0] =	sbarrier.arrive $0xFFFF  }
0x122: {  	p0 =	sne.s32 s0, $0x0;
	_ =	strace $0x90000047  }
0x123: {  	s0 =	sadd.s32 @!p0 $0x100000, s2;
	[bflag:$0x2] =	sbarrier.arrive $0xFFFF  }
0x124: {  	[sflag:s0] =	ssyncadd.tile.s32 @!p0 $0x1;
	_ =	shalt  }
.Lfunc_end2:
_tile_overlayer_lowered:
.L_overlay_start_2:
0x125: {  	(tag) =	ssettag $0x2  }
0x126: {  	s0 =	rddreg [dreg:$0x0];
	s2 =	stileid.u32  }
0x127: {  	s1 =	rddreg [dreg:$0x1];
	p0 =	sne.s32 s2, $0x0  }
0x128: {  	s3 =	rddreg [dreg:$0x2];
	[bflag:$0x3] =	sbarrier.arrive $0xFFFF;
	s2 =	simm.s32 @!p0 $0x1C02  }
0x129: {  	[timem:s3], [sflag:s2] =	dma.local @!p0 [hbm:s0], s1  }
0x12a: {  	s0 =	simm.s32 @!p0 $0x2  }
0x12b: {  	_ =	swait.ge @!p0 [sflag:s0], s1  }
0x12c: {  	s1 =	ssub.s32 @!p0 $0x0, s1;
	[sflag:s0] =	ssyncset.done @!p0 $0x0  }
0x12d: {  	[sflag:s0] =	ssyncadd.s32 @!p0 s1  }
0x12e: {  	[bflag:$0x3] =	sbarrier.arrive $0xFFFF  }
0x12f: {  	_ =	shalt  }

// kernel: kernel.9.cloned.1.call-start
scs
__scs_entry_jumppad:
0x0: {  	(pc) =	sbr.rel $0x88, $3  }
0x1: {  	(tag) =	ssettag $0x0;
	lr =	simm.s32 $0x1  }
0x2: {  	[smem:$0x3F96] =	sst lr;
	_ =	strace $0xD0000000  }
0x3: {  	_ = 	snop  }
0x4: {  	_ = 	snop  }
0x5: {  	_ = 	snop  }
0x6: {  	_ = 	snop  }
0x7: {  	_ = 	snop  }
__scs_overlays_trampoline_lowered:
0x8: {  	[smem:$0x3FA5] =	sst s0  }
0x9: {  	[smem:$0x3FA6] =	sst s1  }
0xa: {  	[smem:$0x3FA7] =	sst s2  }
0xb: {  	[smem:$0x3FA8] =	sst s3  }
0xc: {  	[smem:$0x3FA9] =	sst s4  }
0xd: {  	[smem:$0x3FAA] =	sst s5  }
0xe: {  	[smem:$0x3FAB] =	sst s6  }
0xf: {  	[smem:$0x3FAC] =	sst s7  }
0x10: {  	[smem:$0x3FAD] =	sst s8  }
0x11: {  	[smem:$0x3FAE] =	sst s9;
	s0 =	simm.s32 @!p0 $0x0  }
0x12: {  	s1 =	sld [smem:$0x3F94];
	s0 =	simm.s32 @p0 $0x1  }
0x13: {  	[smem:$0x3FAF] =	sst s0;
	s0 =	simm.s32 @!p1 $0x0  }
0x14: {  	s2 =	sld [smem:$0x3F93];
	s0 =	simm.s32 @p1 $0x1  }
0x15: {  	[smem:$0x3FB0] =	sst s0;
	s0 =	simm.s32 @!p2 $0x0  }
0x16: {  	s3 =	sld [smem:$0x3FDB];
	s0 =	simm.s32 @p2 $0x1  }
0x17: {  	s4 =	simm.s32 $0x1BF5;
	[smem:$0x3FB2] =	sst s0  }
0x18: {  	s0 =	sld [smem:$0x3F95];
	_ =	swait.ge [sflag:s4], $0x0  }
0x19: {  	s7 =	sld [smem:$0x3F96]  }
0x1a: {  	s8 =	sadd.s32 $0xFFFFE003, lr  }
0x1b: {  	s9 =	sadd.s32 $0xFFFFFEF7, lr;
	s5 =	simm.s32 $0xFFFFFFFF;
	p2 =	slt.u32 s8, $0xFFFFF086  }
0x1c: {  	p1 =	slt.u32 s9, $0xF7A;
	s5 =	simm.s32 @!p2 $0x0  }
0x1d: {  	s5 =	simm.s32 @p1 $0x1;
	p0 =	seq.s32 s7, s2  }
0x1e: {  	s7 =	smul.u32 @!p0 $0xF7A, s2;
	p2 =	seq.s32 @!p0 s5, $0x0  }
0x1f: {  	s9 =	smul.u32 $0xF7A, s1;
	s8 =	simm.s32 @!p0 $0x1BF5;
	p2 =	por !p2, p0  }
0x20: {  	[sflag:s8] =	ssyncset.s32 @!p0 $0xFFFFF086;
	s6 =	sadd.s32 @!p0 s3, s7;
	s7 =	simm.s32 @!p0 $0x108  }
0x21: {  	s3 =	sadd.s32 s3, s9;
	s6 =	sadd.s32 @!p0 $0x88, s6;
	s7 =	simm.s32 @p2 $0x1082  }
0x22: {  	[simem:s7], [sflag:s8] =	dma.local @!p0 [hbm:s6], $0xF7A  }
0x23: {  	s9 =	sor.u32 $0xD0000000, s2;
	s6 =	simm.s32 $0x108;
	_ =	swait.ge @!p0 [sflag:s8], $0x0  }
0x24: {  	s3 =	sadd.s32 $0x88, s3;
	s6 =	simm.s32 @!p1 $0x1082;
	[sflag:s4] =	ssyncset.s32 $0xFFFFF086  }
0x25: {  	[simem:s6], [sflag:s4] =	dma.local [hbm:s3], $0xF7A  }
0x26: {  	[smem:$0x3F96] =	sst s1;
	(tag) =	ssettag s2;
	_ =	strace s9  }
0x27: {  	s1 =	sld [smem:$0x3FA6]  }
0x28: {  	s2 =	sld [smem:$0x3FA7]  }
0x29: {  	s4 =	sld [smem:$0x3FA9]  }
0x2a: {  	p0 =	seq.s32 s5, $0x0;
	s5 =	sld [smem:$0x3FAA]  }
0x2b: {  	s6 =	sld [smem:$0x3FAB]  }
0x2c: {  	s7 =	sld [smem:$0x3FAC]  }
0x2d: {  	s3 =	simm.s32 $0x108;
	s8 =	sld [smem:$0x3FAD]  }
0x2e: {  	s3 =	simm.s32 @!p0 $0x1082;
	s9 =	sld [smem:$0x3FAE]  }
0x2f: {  	lr =	sadd.s32 s0, s3;
	s0 =	sld [smem:$0x3FA5]  }
0x30: {  	s3 =	sld [smem:$0x3FA8]  }
0x31: {  	[smem:$0x3FB1] =	sst s10  }
0x32: {  	s10 =	sld [smem:$0x3FAF];
	_ =	sdelay $0x3  }
0x33: {  	p0 =	seq.s32 s10, $0x1;
	s10 =	sld [smem:$0x3FB1];
	_ =	sdelay $0x3  }
0x34: {  	[smem:$0x3FB1] =	sst s10  }
0x35: {  	s10 =	sld [smem:$0x3FB0];
	_ =	sdelay $0x3  }
0x36: {  	p1 =	seq.s32 s10, $0x1;
	s10 =	sld [smem:$0x3FB1];
	_ =	sdelay $0x3  }
0x37: {  	[smem:$0x3FB1] =	sst s10  }
0x38: {  	s10 =	sld [smem:$0x3FB2]  }
0x39: {  	_ = 	snop;
	(pc) =	sbr.ind lr, $3  }
0x3a: {  	_ = 	snop  }
0x3b: {  	_ = 	snop  }
0x3c: {  	p2 =	seq.s32 s10, $0x1;
	s10 =	sld [smem:$0x3FB1]  }
0x3d: {  	_ =	shalt  }
0x3e: {  	_ =	shalt  }
0x3f: {  	_ =	shalt  }
0x40: {  	_ =	shalt  }
0x41: {  	_ =	shalt  }
0x42: {  	_ =	shalt  }
0x43: {  	_ =	shalt  }
0x44: {  	_ =	shalt  }
0x45: {  	_ =	shalt  }
0x46: {  	_ =	shalt  }
0x47: {  	_ =	shalt  }
0x48: {  	_ =	shalt  }
0x49: {  	_ =	shalt  }
0x4a: {  	_ =	shalt  }
0x4b: {  	_ =	shalt  }
0x4c: {  	_ =	shalt  }
0x4d: {  	_ =	shalt  }
0x4e: {  	_ =	shalt  }
0x4f: {  	_ =	shalt  }
0x50: {  	_ =	shalt  }
0x51: {  	_ =	shalt  }
0x52: {  	_ =	shalt  }
0x53: {  	_ =	shalt  }
0x54: {  	_ =	shalt  }
0x55: {  	_ =	shalt  }
0x56: {  	_ =	shalt  }
0x57: {  	_ =	shalt  }
0x58: {  	_ =	shalt  }
0x59: {  	_ =	shalt  }
0x5a: {  	_ =	shalt  }
0x5b: {  	_ =	shalt  }
0x5c: {  	_ =	shalt  }
0x5d: {  	_ =	shalt  }
0x5e: {  	_ =	shalt  }
0x5f: {  	_ =	shalt  }
0x60: {  	_ =	shalt  }
0x61: {  	_ =	shalt  }
0x62: {  	_ =	shalt  }
0x63: {  	_ =	shalt  }
0x64: {  	_ =	shalt  }
0x65: {  	_ =	shalt  }
0x66: {  	_ =	shalt  }
0x67: {  	_ =	shalt  }
0x68: {  	_ =	shalt  }
0x69: {  	_ =	shalt  }
0x6a: {  	_ =	shalt  }
0x6b: {  	_ =	shalt  }
0x6c: {  	_ =	shalt  }
0x6d: {  	_ =	shalt  }
0x6e: {  	_ =	shalt  }
0x6f: {  	_ =	shalt  }
0x70: {  	_ =	shalt  }
0x71: {  	_ =	shalt  }
0x72: {  	_ =	shalt  }
0x73: {  	_ =	shalt  }
0x74: {  	_ =	shalt  }
0x75: {  	_ =	shalt  }
0x76: {  	_ =	shalt  }
0x77: {  	_ =	shalt  }
0x78: {  	_ =	shalt  }
0x79: {  	_ =	shalt  }
0x7a: {  	_ =	shalt  }
0x7b: {  	_ =	shalt  }
0x7c: {  	_ =	shalt  }
0x7d: {  	_ =	shalt  }
0x7e: {  	_ =	shalt  }
0x7f: {  	_ =	shalt  }
0x80: {  	_ =	shalt  }
0x81: {  	_ =	shalt  }
0x82: {  	_ =	shalt  }
0x83: {  	_ =	shalt  }
0x84: {  	_ =	shalt  }
0x85: {  	_ =	shalt  }
0x86: {  	_ =	shalt  }
0x87: {  	_ =	shalt  }
.Lfunc_end0:
.L_simem_size_0:
called_computation.1_lowered:
.L_overlay_start_0:
0x88: {  	s2 =	sld [smem:$0x3FD9]  }
0x89: {  	s3 =	sld [smem:$0x3FFE];
	_ =	sdelay $0x1  }
0x8a: {  	s1 =	srdreg.scid  }
0x8b: {  	s0 =	sand.u32 $0x1, s1  }
0x8c: {  	s17 =	sshll.u32 s0, $0xA;
	s2 =	sadd.s32 s3, s2  }
0x8d: {  	s2 =	sadd.s32 s2, s17  }
0x8e: {  	[smem:$0x3FBD] =	sst s2  }
0x8f: {  	_ = 	snop  }
0x90: {  	s2 =	sld [smem:$0x3FD0];
	(tm) =	ssettm $0x1  }
0x91: {  	s18 =	sld [smem:$0x3FFB];
	_ =	sdelay $0x3  }
0x92: {  	_ =	strace s18  }
0x93: {  	s3 =	sld [smem:$0x3FFC];
	_ =	sdelay $0x3  }
0x94: {  	_ =	strace s3  }
0x95: {  	s3 =	sld [smem:$0x3FFD];
	_ =	sdelay $0x3  }
0x96: {  	_ =	strace s3  }
0x97: {  	_ =	strace $0x8FFFFFFF  }
0x98: {  	s19 =	sld [smem:$0x3FDB];
	_ =	sdelay $0x1  }
0x99: {  	s4 =	simm.s32 $_scs_section_size  }
0x9a: {  	s5 =	simm.s32 $_size__tile_overlayer_lowered;
	s6 =	simm.s32 $_tile_overlayer_lowered  }
0x9b: {  	s22 =	simm.s32 $0x1BFF;
	s21 =	sshll.u32 s6, $0x1;
	s3 =	sadd.s32 s4, s19  }
0x9c: {  	s7 =	simm.s32 $0x0;
	s20 =	sshll.u32 s5, $0x1;
	s5 =	sadd.s32 s21, s3  }
0x9d: {  	[timem:s7], [sflag:s22] =	dma.local [hbm:s5], s20  }
0x9e: {  	_ =	swait.ge [sflag:s22], s20  }
0x9f: {  	s4 =	ssub.s32 $0x0, s20;
	[sflag:s22] =	ssyncset.done $0x0  }
0xa0: {  	[sflag:s22] =	ssyncadd.s32 s4;
	_ =	sdelay $0x1  }
0xa1: {  	s23 =	simm.s32 $0x1B8B  }
0xa2: {  	_ =	swait.ge [sflag:s23], $0x1  }
0xa3: {  	[sflag:s23] =	ssyncset.done $0x0  }
0xa4: {  	s25 =	simm.s32 $0x1B8E;
	s24 =	sld [smem:$0x3FFE];
	[sflag:s23] =	ssyncadd.s32 $0xFFFFFFFF  }
0xa5: {  	s26 =	simm.s32 $execute0_lowered;
	[smem:$0x3FD2] =	sst s25  }
0xa6: {  	s5 =	sshll.u32 s26, $0x1;
	_ =	strace $0x80000049;
	[dreg:$0x1] =	wrdreg $0xFFFFFFFF  }
0xa7: {  	s28 =	simm.s32 $_size_execute0_lowered;
	s3 =	sadd.s32 s3, s5;
	[dreg:$0x0] =	wrdreg $0x0  }
0xa8: {  	s5 =	sshll.u32 s28, $0x1;
	[dreg:$0x2] =	wrdreg s3  }
0xa9: {  	[dreg:$0x3] =	wrdreg s5  }
0xaa: {  	[dreg:$0x4] =	wrdreg $0xC0  }
0xab: {  	_ =	task [dreg:s7], $0x5FFFF  }
0xac: {  	[dreg:$0x1] =	wrdreg $0xFFFFFFFF  }
0xad: {  	[dreg:$0x0] =	wrdreg $0x60  }
0xae: {  	[dreg:$0x2] =	wrdreg s24  }
0xaf: {  	[dreg:$0x3] =	wrdreg s2  }
0xb0: {  	[dreg:$0x4] =	wrdreg $0x9  }
0xb1: {  	_ =	task.clear_ibuf [dreg:s7], $0x5FFFF;
	_ =	strace $0x90000049  }
0xb2: {  	s29 =	simm.s32 $0x9;
	_ =	strace $0x8000004B  }
0xb3: {  	_ =	swait.ge [sflag:s29], $0x1  }
0xb4: {  	[sflag:s29] =	ssyncadd.s32 $0xFFFFFFFF  }
0xb5: {  	_ =	strace $0x9000004B  }
0xb6: {  	_ =	sfence  }
0xb7: {  	s30 =	sld [smem:$0x0];
	_ =	sdelay $0x2  }
0xb8: {  	s31 =	sshll.u32 s1, $0xD;
	s1 =	sshrl.u32 s1, $0x2  }
0xb9: {  	s3 =	sand.u32 $0x4000, s31;
	s1 =	sadd.s32 s1, s30  }
0xba: {  	s0 =	sor.u32 s3, s0;
	s1 =	sshll.u32 s1, $0x11  }
0xbb: {  	s0 =	sor.u32 s1, s0  }
0xbc: {  	s0 =	sadd.s32 $0x8F2B, s0  }
0xbd: {  	[sflag:s0] =	ssyncadd.remote.s32 $0x1  }
0xbe: {  	_ =	sfence.sel $0xFFFF  }
0xbf: {  	[dreg:$0x0] =	wrdreg $0xFFFFFFFF;
	(pc) =	sbr.abs _section_cstart, $3  }
0xc0: {  	[dreg:$0x1] =	wrdreg $0xFFFFFFFF  }
0xc1: {  	_ =	task.clear_ibuf [dreg:s7], $0x2FFFF;
	_ =	strace $0x9FFFFFFF  }
0xc2: {  	(tm) =	ssettm $0x7FFFFFFF  }
0xc3: {  	_ =	shalt  }
tec
execute0_lowered:
.L_overlay_start_1:
0x0: {  	(tag) =	ssettag $0x1  }
0x1: {  	s4 =	rddreg [dreg:$0x0];
	s1 =	srdreg.scid;
	v0 =	vlaneseq.u32  }
0x2: {  	s0 =	stileid.u32;
	s2 =	rddreg [dreg:$0x1];
	v0 =	vmul.u32 $0x8, v0  }
0x3: {  	s3 =	simm.s32 $0x0;
	s11 =	simm.s32 $0x80;
	s12 =	simm.s32 $0x400  }
0x4: {  	s13 =	simm.s32 $0x0;
	s5 =	sand.u32 $0x1, s1;
	s6 =	smul.u32 $0x4E20, s0;
	v1 =	vor.u32 $0x1, v0;
	v2 =	vor.u32 $0x2, v0  }
0x5: {  	s1 =	rddreg [dreg:$0x2];
	s8 =	sshrl.u32 s0, $0x2;
	s9 =	sshll.u32 s0, $0x8;
	v3 =	vor.u32 $0x3, v0;
	v4 =	vor.u32 $0x4, v0;
	v5 =	vor.u32 $0x5, v0  }
0x6: {  	[smem:$0x7FF] =	sst s3;
	s7 =	smul.u32 $0x2710, s5;
	s10 =	sshll.u32 s5, $0x7;
	v6 =	vor.u32 $0x80, v0;
	v7 =	vor.u32 $0x81, v0;
	v8 =	vor.u32 $0x82, v0  }
0x7: {  	s8 =	smul.u32 $0x78000, s8;
	_ =	strace $0x8000004A;
	s5 =	ssub.s32 $0x2, s5;
	v9 =	vor.u32 $0x83, v0;
	v10 =	vor.u32 $0x84, v0;
	v11 =	vor.u32 $0x85, v0  }
0x8: {  	s9 =	sor.u32 s10, s9;
	v12 =	vor.u32 $0x100, v0;
	v13 =	vor.u32 $0x101, v0;
	v14 =	vor.u32 $0x102, v0;
	s30 =	sshrl.u32 s5, $0x1;
	s10 =	simm.s32 $0x280  }
0x9: {  	v15 =	vor.u32 $0x103, v0;
	v16 =	vor.u32 $0x104, v0;
	v17 =	vor.u32 $0x105, v0;
	s9 =	sand.u32 $0x380, s9;
	s6 =	sadd.s32 s7, s6;
	s5 =	ssub.s32 s5, s30  }
0xa: {  	v18 =	vor.u32 $0x180, v0;
	v19 =	vor.u32 $0x181, v0;
	v20 =	vor.u32 $0x182, v0;
	s28 =	sor.u32 s8, s9;
	s29 =	sadd.s32 s6, s4;
	s6 =	sshrl.u32 s6, $0x3  }
0xb: {  	v21 =	vor.u32 $0x183, v0;
	v22 =	vor.u32 $0x184, v0;
	v23 =	vor.u32 $0x185, v0;
	s5 =	smax.u32 s5, $0x1;
	s8 =	simm.s32 $0x300;
	s7 =	sshrl.u32 s28, $0x3  }
0xc: {  	v24 =	vor.u32 $0x200, v0;
	v25 =	vor.u32 $0x201, v0;
	v26 =	vor.u32 $0x202, v0;
	s9 =	simm.s32 $0x1;
	s31 =	sadd.s32 s6, s4;
	s7 =	sadd.s32 s7, s4  }
0xd: {  	v27 =	vor.u32 $0x203, v0;
	v28 =	vor.u32 $0x204, v0;
	v29 =	vor.u32 $0x205, v0;
	s6 =	sadd.s32 $0x15400, s29;
	s4 =	sadd.s32 $0x63600, s7;
	s7 =	sadd.s32 $0xB600, s31  }
.LBB2_1:
0xe: {  	[tilespmem:s8], [sflag:$0x1] =	stream.linear.gather [hbm4b:s2+s3], $0xF000, $0x38;
	[tilespmem:$0xF300] =	vst v63  }
0xf: {  	_ =	swait.ge [sflag:s9], $0xF000  }
0x10: {  	[sflag:s9] =	ssyncset.done $0x0  }
0x11: {  	s14 =	smov.u32 s6;
	s15 =	simm.s32 $0x0;
	[sflag:s9] =	ssyncadd.s32 $0xFFFF1000  }
.LBB2_2:
0x12: {  	s16 =	sadd.s32 s15, s7  }
0x13: {  	[tilespmem:s10], [sflag:$0x1] =	stream.linear.gather [hbm4b:s16+s3], $0x50, $0x38;
	[tilespmem:$0xF300] =	vst v63  }
0x14: {  	_ =	swait.ge [sflag:s9], $0x50  }
0x15: {  	[sflag:s9] =	ssyncset.done $0x0  }
0x16: {  	[sflag:s9] =	ssyncadd.s32 $0xFFFFFFB0  }
0x17: {  	[tilespmem:s3], [sflag:$0x1] =	stream.linear.gather [hbm4b:s14+s3], $0x280, $0x38;
	[tilespmem:$0xF300] =	vst v63  }
0x18: {  	_ =	swait.ge [sflag:s9], $0x280  }
0x19: {  	[sflag:s9] =	ssyncset.done $0x0  }
0x1a: {  	[sflag:s9] =	ssyncadd.s32 $0xFFFFFD80  }
0x1b: {  	v30 =	vld [tilespmem:$0x280];
	_ =	sdelay $0x2  }
0x1c: {  	v31 =	vld.idx.msk [tilespmem:v0+s3+$0x0], $0xffff;
	_ =	sdelay $0x4  }
0x1d: {  	[tilespmem:v30+s8+$0x0] =	vst.idx.add.f32.msk $0xffff, v31  }
0x1e: {  	v32 =	vadd.s32 $0x2800, v30;
	v31 =	vld.idx.msk [tilespmem:v1+s3+$0x0], $0xffff;
	_ =	sdelay $0x4  }
0x1f: {  	[tilespmem:v32+s8+$0x0] =	vst.idx.add.f32.msk $0xffff, v31  }
0x20: {  	v45 =	vadd.s32 $0x5000, v30;
	v31 =	vld.idx.msk [tilespmem:v2+s3+$0x0], $0xffff;
	_ =	sdelay $0x4  }
0x21: {  	[tilespmem:v45+s8+$0x0] =	vst.idx.add.f32.msk $0xffff, v31  }
0x22: {  	v46 =	vadd.s32 $0x7800, v30;
	v31 =	vld.idx.msk [tilespmem:v3+s3+$0x0], $0xffff;
	_ =	sdelay $0x4  }
0x23: {  	[tilespmem:v46+s8+$0x0] =	vst.idx.add.f32.msk $0xffff, v31  }
0x24: {  	v47 =	vadd.s32 $0xA000, v30;
	v31 =	vld.idx.msk [tilespmem:v4+s3+$0x0], $0xffff;
	_ =	sdelay $0x4  }
0x25: {  	[tilespmem:v47+s8+$0x0] =	vst.idx.add.f32.msk $0xffff, v31  }
0x26: {  	v30 =	vadd.s32 $0xC800, v30;
	v31 =	vld.idx.msk [tilespmem:v5+s3+$0x0], $0xffff;
	_ =	sdelay $0x4  }
0x27: {  	[tilespmem:v30+s8+$0x0] =	vst.idx.add.f32.msk $0xffff, v31  }
0x28: {  	v30 =	vld [tilespmem:$0x290];
	_ =	sdelay $0x2  }
0x29: {  	v31 =	vld.idx.msk [tilespmem:v6+s3+$0x0], $0xffff;
	_ =	sdelay $0x4  }
0x2a: {  	[tilespmem:v30+s8+$0x0] =	vst.idx.add.f32.msk $0xffff, v31  }
0x2b: {  	v48 =	vadd.s32 $0x2800, v30;
	v31 =	vld.idx.msk [tilespmem:v7+s3+$0x0], $0xffff;
	_ =	sdelay $0x4  }
0x2c: {  	[tilespmem:v48+s8+$0x0] =	vst.idx.add.f32.msk $0xffff, v31  }
0x2d: {  	v49 =	vadd.s32 $0x5000, v30;
	v31 =	vld.idx.msk [tilespmem:v8+s3+$0x0], $0xffff;
	_ =	sdelay $0x4  }
0x2e: {  	[tilespmem:v49+s8+$0x0] =	vst.idx.add.f32.msk $0xffff, v31  }
0x2f: {  	v50 =	vadd.s32 $0x7800, v30;
	v31 =	vld.idx.msk [tilespmem:v9+s3+$0x0], $0xffff;
	_ =	sdelay $0x4  }
0x30: {  	[tilespmem:v50+s8+$0x0] =	vst.idx.add.f32.msk $0xffff, v31  }
0x31: {  	v51 =	vadd.s32 $0xA000, v30;
	v31 =	vld.idx.msk [tilespmem:v10+s3+$0x0], $0xffff;
	_ =	sdelay $0x4  }
0x32: {  	[tilespmem:v51+s8+$0x0] =	vst.idx.add.f32.msk $0xffff, v31  }
0x33: {  	v30 =	vadd.s32 $0xC800, v30;
	v31 =	vld.idx.msk [tilespmem:v11+s3+$0x0], $0xffff;
	_ =	sdelay $0x4  }
0x34: {  	[tilespmem:v30+s8+$0x0] =	vst.idx.add.f32.msk $0xffff, v31  }
0x35: {  	v30 =	vld [tilespmem:$0x2A0];
	_ =	sdelay $0x2  }
0x36: {  	v31 =	vld.idx.msk [tilespmem:v12+s3+$0x0], $0xffff;
	_ =	sdelay $0x4  }
0x37: {  	[tilespmem:v30+s8+$0x0] =	vst.idx.add.f32.msk $0xffff, v31  }
0x38: {  	v52 =	vadd.s32 $0x2800, v30;
	v31 =	vld.idx.msk [tilespmem:v13+s3+$0x0], $0xffff;
	_ =	sdelay $0x4  }
0x39: {  	[tilespmem:v52+s8+$0x0] =	vst.idx.add.f32.msk $0xffff, v31  }
0x3a: {  	v53 =	vadd.s32 $0x5000, v30;
	v31 =	vld.idx.msk [tilespmem:v14+s3+$0x0], $0xffff;
	_ =	sdelay $0x4  }
0x3b: {  	[tilespmem:v53+s8+$0x0] =	vst.idx.add.f32.msk $0xffff, v31  }
0x3c: {  	v54 =	vadd.s32 $0x7800, v30;
	v31 =	vld.idx.msk [tilespmem:v15+s3+$0x0], $0xffff;
	_ =	sdelay $0x4  }
0x3d: {  	[tilespmem:v54+s8+$0x0] =	vst.idx.add.f32.msk $0xffff, v31  }
0x3e: {  	v55 =	vadd.s32 $0xA000, v30;
	v31 =	vld.idx.msk [tilespmem:v16+s3+$0x0], $0xffff;
	_ =	sdelay $0x4  }
0x3f: {  	[tilespmem:v55+s8+$0x0] =	vst.idx.add.f32.msk $0xffff, v31  }
0x40: {  	v30 =	vadd.s32 $0xC800, v30;
	v31 =	vld.idx.msk [tilespmem:v17+s3+$0x0], $0xffff;
	_ =	sdelay $0x4  }
0x41: {  	[tilespmem:v30+s8+$0x0] =	vst.idx.add.f32.msk $0xffff, v31  }
0x42: {  	v30 =	vld [tilespmem:$0x2B0];
	_ =	sdelay $0x2  }
0x43: {  	v31 =	vld.idx.msk [tilespmem:v18+s3+$0x0], $0xffff;
	_ =	sdelay $0x4  }
0x44: {  	[tilespmem:v30+s8+$0x0] =	vst.idx.add.f32.msk $0xffff, v31  }
0x45: {  	v56 =	vadd.s32 $0x2800, v30;
	v31 =	vld.idx.msk [tilespmem:v19+s3+$0x0], $0xffff;
	_ =	sdelay $0x4  }
0x46: {  	[tilespmem:v56+s8+$0x0] =	vst.idx.add.f32.msk $0xffff, v31  }
0x47: {  	v57 =	vadd.s32 $0x5000, v30;
	v31 =	vld.idx.msk [tilespmem:v20+s3+$0x0], $0xffff;
	_ =	sdelay $0x4  }
0x48: {  	[tilespmem:v57+s8+$0x0] =	vst.idx.add.f32.msk $0xffff, v31  }
0x49: {  	v58 =	vadd.s32 $0x7800, v30;
	v31 =	vld.idx.msk [tilespmem:v21+s3+$0x0], $0xffff;
	_ =	sdelay $0x4  }
0x4a: {  	[tilespmem:v58+s8+$0x0] =	vst.idx.add.f32.msk $0xffff, v31  }
0x4b: {  	v59 =	vadd.s32 $0xA000, v30;
	v31 =	vld.idx.msk [tilespmem:v22+s3+$0x0], $0xffff;
	_ =	sdelay $0x4  }
0x4c: {  	[tilespmem:v59+s8+$0x0] =	vst.idx.add.f32.msk $0xffff, v31  }
0x4d: {  	v30 =	vadd.s32 $0xC800, v30;
	v31 =	vld.idx.msk [tilespmem:v23+s3+$0x0], $0xffff;
	_ =	sdelay $0x4  }
0x4e: {  	[tilespmem:v30+s8+$0x0] =	vst.idx.add.f32.msk $0xffff, v31  }
0x4f: {  	v30 =	vld [tilespmem:$0x2C0];
	_ =	sdelay $0x2  }
0x50: {  	v31 =	vld.idx.msk [tilespmem:v24+s3+$0x0], $0xffff;
	_ =	sdelay $0x4  }
0x51: {  	[tilespmem:v30+s8+$0x0] =	vst.idx.add.f32.msk $0xffff, v31  }
0x52: {  	v60 =	vadd.s32 $0x2800, v30;
	v31 =	vld.idx.msk [tilespmem:v25+s3+$0x0], $0xffff;
	_ =	sdelay $0x4  }
0x53: {  	[tilespmem:v60+s8+$0x0] =	vst.idx.add.f32.msk $0xffff, v31  }
0x54: {  	v61 =	vadd.s32 $0x5000, v30;
	v31 =	vld.idx.msk [tilespmem:v26+s3+$0x0], $0xffff;
	_ =	sdelay $0x4  }
0x55: {  	[tilespmem:v61+s8+$0x0] =	vst.idx.add.f32.msk $0xffff, v31  }
0x56: {  	v62 =	vadd.s32 $0x7800, v30;
	v31 =	vld.idx.msk [tilespmem:v27+s3+$0x0], $0xffff;
	_ =	sdelay $0x4  }
0x57: {  	[tilespmem:v62+s8+$0x0] =	vst.idx.add.f32.msk $0xffff, v31  }
0x58: {  	v63 =	vadd.s32 $0xA000, v30;
	v31 =	vld.idx.msk [tilespmem:v28+s3+$0x0], $0xffff;
	_ =	sdelay $0x4  }
0x59: {  	[tilespmem:v63+s8+$0x0] =	vst.idx.add.f32.msk $0xffff, v31  }
0x5a: {  	p0 =	sne.s32 s15, $0x4D8;
	v30 =	vadd.s32 $0xC800, v30;
	v31 =	vld.idx.msk [tilespmem:v29+s3+$0x0], $0xffff  }
.Ltmp0:
0x5b: {  	_ = 	snop;
	(pc) =	sbr.rel @p0 .LBB2_2-.Ltmp0, $2  }
0x5c: {  	_ =	sdelay $0x2  }
0x5d: {  	s15 =	sadd.s32 $0xA, s15;
	s14 =	sadd.s32 $0x50, s14;
	[tilespmem:v30+s8+$0x0] =	vst.idx.add.f32.msk $0xffff, v31  }
0x5e: {  	s13 =	sadd.s32 $0x1, s13  }
0x5f: {  	p0 =	sne.s32 s13, s5  }
.Ltmp1:
0x60: {  	_ = 	snop;
	(pc) =	sbr.rel @p0 .LBB2_1-.Ltmp1, $4  }
0x61: {  	[hbm4b:s4+s11] =	stream.strided.scatter [tilespmem:s8], [sflag:$0x1], $0xF000, s12, s11, $0x38;
	[tilespmem:$0xF300] =	vst v63  }
0x62: {  	_ =	swait.ge [sflag:s9], $0xF000  }
0x63: {  	[sflag:s9] =	ssyncset.done $0x0  }
0x64: {  	[sflag:s9] =	ssyncadd.s32 $0xFFFF1000  }
0x65: {  	_ =	sfence.sel $0x180000  }
0x66: {  	[bflag:$0x0] =	sbarrier.arrive $0xFFFF  }
0x67: {  	p0 =	sne.s32 s0, $0x0;
	_ =	strace $0x9000004A  }
0x68: {  	s0 =	sadd.s32 @!p0 $0x100000, s1;
	[bflag:$0x2] =	sbarrier.arrive $0xFFFF  }
0x69: {  	[sflag:s0] =	ssyncadd.tile.s32 @!p0 $0x1;
	_ =	shalt  }
.Lfunc_end2:
_tile_overlayer_lowered:
.L_overlay_start_2:
0x6a: {  	(tag) =	ssettag $0x2  }
0x6b: {  	s0 =	rddreg [dreg:$0x0];
	s2 =	stileid.u32  }
0x6c: {  	s1 =	rddreg [dreg:$0x1];
	p0 =	sne.s32 s2, $0x0  }
0x6d: {  	s3 =	rddreg [dreg:$0x2];
	[bflag:$0x3] =	sbarrier.arrive $0xFFFF;
	s2 =	simm.s32 @!p0 $0x1C01  }
0x6e: {  	[timem:s3], [sflag:s2] =	dma.local @!p0 [hbm:s0], s1  }
0x6f: {  	s0 =	simm.s32 @!p0 $0x1  }
0x70: {  	_ =	swait.ge @!p0 [sflag:s0], s1  }
0x71: {  	s1 =	ssub.s32 @!p0 $0x0, s1;
	[sflag:s0] =	ssyncset.done @!p0 $0x0  }
0x72: {  	[sflag:s0] =	ssyncadd.s32 @!p0 s1  }
0x73: {  	[bflag:$0x3] =	sbarrier.arrive $0xFFFF  }
0x74: {  	_ =	shalt  }

</sc_bundles>
